<compile_context>
chip_gen: v7x
topology: tpu7x:2x2x1
jax: 0.10.2.dev20260603
libtpu: 0.0.44.dev20260713+nightly
codegen_flags: <defaults>
</compile_context>

<pallas_src>
import functools

import jax
import jax.numpy as jnp
from jax import lax
from jax.experimental import pallas as pl
from jax.experimental.pallas import tpu as pltpu
from jax.experimental.pallas import tpu_sc as plsc

_N = 10000
_E = 320000
_D_IN = 128
_D_H = 128
_D_OUT = 64
_B = 64

_NC = 2
_NS = 16
_NW = _NC * _NS
_K = 80
_EPW = _E // _NW
_NCHUNK = _EPW // _K
_NP = 10240
_RPT = _NP // _NS

_R = 2000
_NB = _N // _R

_sc_mesh = plsc.VectorSubcoreMesh(
    core_axis_name="c", subcore_axis_name="s", num_cores=_NC, num_subcores=_NS)



@functools.partial(
    pl.kernel,
    out_type=jax.ShapeDtypeStruct((_NC, _NP), jnp.float32),
    mesh=_sc_mesh,
    scratch_types=[
        pltpu.VMEM((_NCHUNK, _K), jnp.int32),
        pltpu.VMEM((_K,), jnp.float32),
        pltpu.VMEM_SHARED((_NP,), jnp.float32),
    ],
)
def _sc_degree(dst_hbm, ones_hbm, zeros_hbm, out_hbm, idx_v, ones_v, acc):
    c = lax.axis_index("c")
    s = lax.axis_index("s")
    wid = s * _NC + c
    pltpu.sync_copy(zeros_hbm, acc.at[pl.ds(s * _RPT, _RPT)])
    pltpu.sync_copy(dst_hbm.at[wid], idx_v)
    pltpu.sync_copy(ones_hbm, ones_v)
    plsc.subcore_barrier()

    def body(j, carry):
        pltpu.sync_copy(ones_v, acc.at[idx_v.at[j]], add=True)
        return carry

    lax.fori_loop(0, _NCHUNK, body, 0)
    plsc.subcore_barrier()
    pltpu.sync_copy(acc.at[pl.ds(s * _RPT, _RPT)],
                    out_hbm.at[c, pl.ds(s * _RPT, _RPT)])


_NBUF = 2
_NGRP = _NCHUNK // _NBUF


@functools.partial(
    pl.kernel,
    out_type=jax.ShapeDtypeStruct((_NC, _NP, _D_H), jnp.float32),
    mesh=_sc_mesh,
    scratch_types=[
        pltpu.VMEM((_EPW,), jnp.int32),
        pltpu.VMEM((_NBUF, _K), jnp.int32),
        pltpu.VMEM((_NBUF, _K, _D_H), jnp.float32),
        pltpu.SemaphoreType.DMA,
        pltpu.SemaphoreType.DMA,
        pltpu.VMEM_SHARED((_NP, _D_H), jnp.float32),
    ],
)
def _sc_scatter_rows(g_hbm, src_hbm, dst_hbm, zeros_hbm, out_hbm,
                     src_v, dst_v, rows_v, gsem0, gsem1, acc):
    gsems = [gsem0, gsem1]
    c = lax.axis_index("c")
    s = lax.axis_index("s")
    wid = s * _NC + c
    base = wid * _EPW
    pltpu.sync_copy(zeros_hbm, acc.at[pl.ds(s * _RPT, _RPT)])
    pltpu.sync_copy(src_hbm.at[pl.ds(base, _EPW)], src_v)
    plsc.subcore_barrier()

    def g_start(chunk, b):
        pltpu.async_copy(dst_hbm.at[pl.ds(base + chunk * _K, _K)],
                         dst_v.at[b], gsems[b])
        pltpu.async_copy(g_hbm.at[src_v.at[pl.ds(chunk * _K, _K)]],
                         rows_v.at[b], gsems[b])

    def g_wait(chunk, b):
        pltpu.make_async_copy(dst_hbm.at[pl.ds(base + chunk * _K, _K)],
                              dst_v.at[b], gsems[b]).wait()
        pltpu.make_async_copy(g_hbm.at[src_v.at[pl.ds(chunk * _K, _K)]],
                              rows_v.at[b], gsems[b]).wait()

    def s_sync(chunk, b):
        pltpu.sync_copy(rows_v.at[b], acc.at[dst_v.at[b]], add=True)

    for b in range(_NBUF):
        g_start(b, b)

    def outer(jo, carry):
        base = jo * _NBUF
        for b in range(_NBUF):
            g_wait(base + b, b)
            s_sync(base + b, b)
            g_start(base + _NBUF + b, b)
        return carry

    lax.fori_loop(0, _NGRP - 1, outer, 0)
    for chunk in range((_NGRP - 1) * _NBUF, _NCHUNK):
        b = chunk % _NBUF
        g_wait(chunk, b)
        s_sync(chunk, b)
        nxt = chunk + _NBUF
        if nxt < _NCHUNK:
            g_start(nxt, b)
    plsc.subcore_barrier()
    pltpu.sync_copy(acc.at[pl.ds(s * _RPT, _RPT)],
                    out_hbm.at[c, pl.ds(s * _RPT, _RPT)])



def _selu(v):
    return 1.0507009873554805 * jnp.where(
        v > 0.0, v, 1.6732632423543772 * (jnp.exp(v) - 1.0))


def _tc_h1_body(x_ref, w_ref, h_ref):
    h_ref[...] = jnp.dot(x_ref[...], w_ref[...],
                         preferred_element_type=jnp.float32)


_tc_h1 = pl.pallas_call(
    _tc_h1_body,
    grid=(_NB,),
    in_specs=[
        pl.BlockSpec((_R, _D_IN), lambda i: (i, 0)),
        pl.BlockSpec((_D_IN, _D_H), lambda i: (0, 0)),
    ],
    out_specs=pl.BlockSpec((_R, _D_H), lambda i: (i, 0)),
    out_shape=jax.ShapeDtypeStruct((_N, _D_H), jnp.float32),
)


def _tc_scale_body(deg_ref, h_ref, g_ref, dis_ref):
    dis = lax.rsqrt(deg_ref[...] + 1.0)
    dis_ref[...] = dis
    g_ref[...] = dis * h_ref[...]


_tc_scale = pl.pallas_call(
    _tc_scale_body,
    grid=(_NB,),
    in_specs=[
        pl.BlockSpec((_R, 1), lambda i: (i, 0)),
        pl.BlockSpec((_R, _D_H), lambda i: (i, 0)),
    ],
    out_specs=[
        pl.BlockSpec((_R, _D_H), lambda i: (i, 0)),
        pl.BlockSpec((_R, 1), lambda i: (i, 0)),
    ],
    out_shape=[
        jax.ShapeDtypeStruct((_N, _D_H), jnp.float32),
        jax.ShapeDtypeStruct((_N, 1), jnp.float32),
    ],
)


def _tc_mid_body(acc_ref, g_ref, dis_ref, b_ref, w_ref, g2_ref):
    dis = dis_ref[...]
    z = _selu(dis * (acc_ref[0] + acc_ref[1] + g_ref[...]) + b_ref[...])
    g2_ref[...] = dis * jnp.dot(z, w_ref[...],
                                preferred_element_type=jnp.float32)


_tc_mid = pl.pallas_call(
    _tc_mid_body,
    grid=(_NB,),
    in_specs=[
        pl.BlockSpec((2, _R, _D_H), lambda i: (0, i, 0)),
        pl.BlockSpec((_R, _D_H), lambda i: (i, 0)),
        pl.BlockSpec((_R, 1), lambda i: (i, 0)),
        pl.BlockSpec((1, _D_H), lambda i: (0, 0)),
        pl.BlockSpec((_D_H, _D_H), lambda i: (0, 0)),
    ],
    out_specs=pl.BlockSpec((_R, _D_H), lambda i: (i, 0)),
    out_shape=jax.ShapeDtypeStruct((_N, _D_H), jnp.float32),
)


def _tc_final_body(acc_ref, g_ref, dis_ref, b_ref, batch_ref, wd_ref, bd_ref,
                   out_ref, sums_ref, cnts_ref):
    i = pl.program_id(0)

    @pl.when(i == 0)
    def _():
        sums_ref[...] = jnp.zeros_like(sums_ref)
        cnts_ref[...] = jnp.zeros_like(cnts_ref)

    dis = dis_ref[...]
    z = _selu(dis * (acc_ref[0] + acc_ref[1] + g_ref[...]) + b_ref[...])
    onehot = (batch_ref[...] ==
              lax.broadcasted_iota(jnp.int32, (1, _B), 1)).astype(jnp.float32)
    sums_ref[...] += lax.dot_general(
        onehot, z, (((0,), (0,)), ((), ())),
        preferred_element_type=jnp.float32)
    cnts_ref[...] += lax.dot_general(
        onehot, jnp.ones((_R, 1), jnp.float32), (((0,), (0,)), ((), ())),
        preferred_element_type=jnp.float32)

    @pl.when(i == _NB - 1)
    def _():
        pooled = sums_ref[...] / jnp.maximum(cnts_ref[...], 1.0)
        logits = jnp.dot(pooled, wd_ref[...],
                         preferred_element_type=jnp.float32) + bd_ref[...]
        out_ref[...] = jax.nn.sigmoid(logits)


_tc_final = pl.pallas_call(
    _tc_final_body,
    grid=(_NB,),
    in_specs=[
        pl.BlockSpec((2, _R, _D_H), lambda i: (0, i, 0)),
        pl.BlockSpec((_R, _D_H), lambda i: (i, 0)),
        pl.BlockSpec((_R, 1), lambda i: (i, 0)),
        pl.BlockSpec((1, _D_H), lambda i: (0, 0)),
        pl.BlockSpec((_R, 1), lambda i: (i, 0)),
        pl.BlockSpec((_D_H, _D_OUT), lambda i: (0, 0)),
        pl.BlockSpec((1, _D_OUT), lambda i: (0, 0)),
    ],
    out_specs=pl.BlockSpec((_B, _D_OUT), lambda i: (0, 0)),
    out_shape=jax.ShapeDtypeStruct((_B, _D_OUT), jnp.float32),
    scratch_shapes=[
        pltpu.VMEM((_B, _D_H), jnp.float32),
        pltpu.VMEM((_B, 1), jnp.float32),
    ],
)



def kernel(x, W1, b1, W2, b2, Wd, bd, edge_index, batch):
    src = edge_index[0]
    dst = edge_index[1]
    dst3 = dst.reshape(_NW, _NCHUNK, _K)
    ones_k = jnp.ones((_K,), jnp.float32)
    zeros_1d = jnp.zeros((_RPT,), jnp.float32)
    zeros_2d = jnp.zeros((_RPT, _D_H), jnp.float32)
    b1r = b1.reshape(1, _D_H)
    b2r = b2.reshape(1, _D_H)
    bdr = bd.reshape(1, _D_OUT)
    batch_col = batch.reshape(_N, 1)

    deg_parts = _sc_degree(dst3, ones_k, zeros_1d)
    h1 = _tc_h1(x, W1)
    degsum = (deg_parts[0, :_N] + deg_parts[1, :_N]).reshape(_N, 1)

    g1, dis = _tc_scale(degsum, h1)
    acc1 = _sc_scatter_rows(g1, src, dst, zeros_2d)
    g2 = _tc_mid(acc1, g1, dis, b1r, W2)
    acc2 = _sc_scatter_rows(g2, src, dst, zeros_2d)
    out = _tc_final(acc2, g2, dis, b2r, batch_col, Wd, bdr)
    return out

# --- scband reference (transcript-rebuilt; emitter-appended) ---
"""Pipeline reference for scband-gcnnet-17643725652476 (READ-ONLY COPY).

The authoritative reference and input builder live on the scoring server;
editing this copy changes nothing except your own understanding.
"""

import jax, jax.numpy as jnp
import numpy as np

N = 10000
E = 320000
D_IN = 128
D_H = 128
D_OUT = 64
B = 64


def setup_inputs(seed: int = 0) -> dict:
    key = jax.random.key(seed)
    ks = jax.random.split(key, 10)
    x = jax.random.normal(ks[0], (N, D_IN), dtype=jnp.float32)
    edge_index = jax.random.randint(ks[1], (2, E), 0, N, dtype=jnp.int32)
    batch = jnp.sort(jax.random.randint(ks[2], (N,), 0, B, dtype=jnp.int32))
    W1 = jax.random.normal(ks[3], (D_IN, D_H), dtype=jnp.float32) * (1.0 / np.sqrt(D_IN))
    b1 = jnp.zeros((D_H,), dtype=jnp.float32)
    W2 = jax.random.normal(ks[4], (D_H, D_H), dtype=jnp.float32) * (1.0 / np.sqrt(D_H))
    b2 = jnp.zeros((D_H,), dtype=jnp.float32)
    Wd = jax.random.normal(ks[5], (D_H, D_OUT), dtype=jnp.float32) * (1.0 / np.sqrt(D_H))
    bd = jnp.zeros((D_OUT,), dtype=jnp.float32)
    return {"x": x, "W1": W1, "b1": b1, "W2": W2, "b2": b2, "Wd": Wd, "bd": bd, "edge_index": edge_index, "batch": batch}


def _gcn_conv(x, edge_index, W, b):
    # PyG GCNConv: add self-loops, symmetric normalization D^{-1/2} (A+I) D^{-1/2}, linear transform first
    src = edge_index[0]
    dst = edge_index[1]
    loop = jnp.arange(N, dtype=src.dtype)
    src2 = jnp.concatenate([src, loop])
    dst2 = jnp.concatenate([dst, loop])
    deg = jnp.zeros((N,), dtype=x.dtype).at[dst2].add(1.0)
    dis = jnp.where(deg > 0, 1.0 / jnp.sqrt(deg), 0.0)
    norm = dis[src2] * dis[dst2]
    h = x @ W
    msgs = h[src2] * norm[:, None]
    out = jnp.zeros((N, W.shape[1]), dtype=x.dtype).at[dst2].add(msgs)
    return out + b


def reference(x, W1, b1, W2, b2, Wd, bd, edge_index, batch):
    h = jax.nn.selu(_gcn_conv(x, edge_index, W1, b1))
    h = jax.nn.selu(_gcn_conv(h, edge_index, W2, b2))
    sums = jax.ops.segment_sum(h, batch, num_segments=B)
    cnts = jax.ops.segment_sum(jnp.ones((N,), dtype=h.dtype), batch, num_segments=B)
    pooled = sums / jnp.maximum(cnts, 1.0)[:, None]
    logits = pooled @ Wd + bd
    return jax.nn.sigmoid(logits)

if __name__ == "__main__":
    import jax
    _d = setup_inputs()
    print(jax.jit(kernel)(*tuple(_d.values())))

</pallas_src>

<mosaic_0001>
#map = affine_map<(d0, d1) -> (0, 0)>
#map1 = affine_map<(d0, d1) -> (0)>
#map2 = affine_map<(d0, d1) -> (0, 0, 0)>
module attributes {stable_mosaic.version = 14 : i64} {
  func.func @_sc_scatter_rows(%arg0: i32, %arg1: i32, %arg2: memref<10000x128xf32, #tpu.memory_space<hbm>>, %arg3: memref<320000xi32, #tpu.memory_space<hbm>>, %arg4: memref<320000xi32, #tpu.memory_space<hbm>>, %arg5: memref<640x128xf32, #tpu.memory_space<hbm>>, %arg6: memref<2x10240x128xf32, #tpu.memory_space<hbm>>, %arg7: memref<10000xi32, #tpu.memory_space<vmem>>, %arg8: memref<2x80xi32, #tpu.memory_space<vmem>>, %arg9: memref<2x80x128xf32, #tpu.memory_space<vmem>>, %arg10: memref<!tpu.dma_semaphore, #tpu.memory_space<semaphore_mem>>, %arg11: memref<!tpu.dma_semaphore, #tpu.memory_space<semaphore_mem>>, %arg12: memref<10240x128xf32, #tpu.memory_space<vmem_shared>>) attributes {dimension_semantics = [#tpu.dimension_semantics<core_parallel>, #tpu.dimension_semantics<subcore_parallel>], iteration_bounds = array<i64: 2, 16>, scalar_prefetch = 0 : i64, scratch_operands = 6 : i64, tpu.core_type = #tpu.core_type<sc_vector_subcore>, window_params = [{transform_indices = #map}, {transform_indices = #map1}, {transform_indices = #map1}, {transform_indices = #map}, {transform_indices = #map2}]} {
    %mul3A = arith.constant 2 : i32
    %mul3A_0 = arith.muli %arg1, %mul3A : i32
    %add3A = arith.addi %mul3A_0, %arg0 : i32
    %mul3A_1 = arith.constant 10000 : i32
    %mul3A_2 = arith.muli %add3A, %mul3A_1 : i32
    %mul3A_3 = arith.constant 640 : i32
    %mul3A_4 = arith.muli %arg1, %mul3A_3 : i32
    "tpu.region"() ({
      %run_scoped3A_144 = tpu.sem_alloc : memref<!tpu.dma_semaphore, #tpu.memory_space<semaphore_mem>>
      %dma_start3A_145 = arith.constant 0 : i32
      %dma_start3A_146 = tpu.memref_slice %arg12[%mul3A_4, %dma_start3A_145] : memref<10240x128xf32, #tpu.memory_space<vmem_shared>> -> memref<640x128xf32, #tpu.memory_space<vmem_shared>>
      tpu.enqueue_dma source(%arg5 : memref<640x128xf32, #tpu.memory_space<hbm>>) target(%dma_start3A_146 : memref<640x128xf32, #tpu.memory_space<vmem_shared>>) target_semaphore(%run_scoped3A_144 : memref<!tpu.dma_semaphore, #tpu.memory_space<semaphore_mem>>)
      %dma_wait3A_147 = arith.constant 0 : i32
      %dma_wait3A_148 = tpu.memref_slice %arg12[%mul3A_4, %dma_wait3A_147] : memref<10240x128xf32, #tpu.memory_space<vmem_shared>> -> memref<640x128xf32, #tpu.memory_space<vmem_shared>>
      tpu.wait_dma2 semaphore(%run_scoped3A_144 : memref<!tpu.dma_semaphore, #tpu.memory_space<semaphore_mem>>) src(%arg5 : memref<640x128xf32, #tpu.memory_space<hbm>>) dst(%dma_wait3A_148 : memref<640x128xf32, #tpu.memory_space<vmem_shared>>)
      tpu.yield
    }) : () -> ()
    "tpu.region"() ({
      %run_scoped3A_144 = tpu.sem_alloc : memref<!tpu.dma_semaphore, #tpu.memory_space<semaphore_mem>>
      %dma_start3A_145 = tpu.memref_slice %arg3[%mul3A_2] : memref<320000xi32, #tpu.memory_space<hbm>> -> memref<10000xi32, #tpu.memory_space<hbm>>
      %dma_start3A_146 = tpu.memref_slice %arg3[%mul3A_2] : memref<320000xi32, #tpu.memory_space<hbm>> -> memref<10000xi32, #tpu.memory_space<hbm>>
      tpu.enqueue_dma source(%dma_start3A_146 : memref<10000xi32, #tpu.memory_space<hbm>>) target(%arg7 : memref<10000xi32, #tpu.memory_space<vmem>>) target_semaphore(%run_scoped3A_144 : memref<!tpu.dma_semaphore, #tpu.memory_space<semaphore_mem>>)
      %dma_wait3A_147 = tpu.memref_slice %arg3[%mul3A_2] : memref<320000xi32, #tpu.memory_space<hbm>> -> memref<10000xi32, #tpu.memory_space<hbm>>
      %dma_wait3A_148 = tpu.memref_slice %arg3[%mul3A_2] : memref<320000xi32, #tpu.memory_space<hbm>> -> memref<10000xi32, #tpu.memory_space<hbm>>
      tpu.wait_dma2 semaphore(%run_scoped3A_144 : memref<!tpu.dma_semaphore, #tpu.memory_space<semaphore_mem>>) src(%dma_wait3A_148 : memref<10000xi32, #tpu.memory_space<hbm>>) dst(%arg7 : memref<10000xi32, #tpu.memory_space<vmem>>)
      tpu.yield
    }) : () -> ()
    %barrier3A = arith.constant 0 : index
    tpu.barrier barrier_id(%barrier3A)
    %add3A_5 = arith.constant 0 : i32
    %add3A_6 = arith.addi %mul3A_2, %add3A_5 : i32
    %dma_start3A = arith.constant 0 : i32
    %dma_start3A_7 = arith.constant 0 : i32
    %dma_start3A_8 = tpu.memref_slice %arg8[%dma_start3A, %dma_start3A_7] : memref<2x80xi32, #tpu.memory_space<vmem>> -> memref<1x80xi32, #tpu.memory_space<vmem>>
    %dma_start3A_9 = tpu.memref_squeeze %dma_start3A_8 : memref<1x80xi32, #tpu.memory_space<vmem>> -> memref<80xi32, #tpu.memory_space<vmem>>
    %dma_start3A_10 = tpu.memref_slice %arg4[%add3A_6] : memref<320000xi32, #tpu.memory_space<hbm>> -> memref<80xi32, #tpu.memory_space<hbm>>
    %dma_start3A_11 = arith.constant 0 : i32
    %dma_start3A_12 = tpu.memref_slice %arg8[%dma_start3A, %dma_start3A_11] : memref<2x80xi32, #tpu.memory_space<vmem>> -> memref<1x80xi32, #tpu.memory_space<vmem>>
    %dma_start3A_13 = tpu.memref_squeeze %dma_start3A_12 : memref<1x80xi32, #tpu.memory_space<vmem>> -> memref<80xi32, #tpu.memory_space<vmem>>
    %dma_start3A_14 = tpu.memref_slice %arg4[%add3A_6] : memref<320000xi32, #tpu.memory_space<hbm>> -> memref<80xi32, #tpu.memory_space<hbm>>
    tpu.enqueue_dma source(%dma_start3A_14 : memref<80xi32, #tpu.memory_space<hbm>>) target(%dma_start3A_13 : memref<80xi32, #tpu.memory_space<vmem>>) target_semaphore(%arg10 : memref<!tpu.dma_semaphore, #tpu.memory_space<semaphore_mem>>)
    %dma_start3A_15 = arith.constant 0 : i32
    %dma_start3A_16 = arith.constant 0 : i32
    %dma_start3A_17 = arith.constant 0 : i32
    %dma_start3A_18 = tpu.memref_slice %arg9[%dma_start3A_15, %dma_start3A_16, %dma_start3A_17] : memref<2x80x128xf32, #tpu.memory_space<vmem>> -> memref<1x80x128xf32, #tpu.memory_space<vmem>>
    %dma_start3A_19 = tpu.memref_squeeze %dma_start3A_18 : memref<1x80x128xf32, #tpu.memory_space<vmem>> -> memref<80x128xf32, #tpu.memory_space<vmem>>
    %dma_start3A_20 = arith.constant 0 : i32
    %dma_start3A_21 = tpu.memref_slice %arg7[%dma_start3A_20] : memref<10000xi32, #tpu.memory_space<vmem>> -> memref<80xi32, #tpu.memory_space<vmem>>
    %dma_start3A_22 = arith.constant 0 : i32
    %dma_start3A_23 = arith.constant 0 : i32
    %dma_start3A_24 = tpu.memref_slice %arg2[%dma_start3A_22, %dma_start3A_23] : memref<10000x128xf32, #tpu.memory_space<hbm>> -> memref<10000x128xf32, #tpu.memory_space<hbm>>
    tpu.enqueue_indirect_dma source(%dma_start3A_24 : memref<10000x128xf32, #tpu.memory_space<hbm>>) target(%dma_start3A_19 : memref<80x128xf32, #tpu.memory_space<vmem>>) offsets(%dma_start3A_21 : memref<80xi32, #tpu.memory_space<vmem>>) semaphore(%arg10 : memref<!tpu.dma_semaphore, #tpu.memory_space<semaphore_mem>>)
    %add3A_25 = arith.constant 80 : i32
    %add3A_26 = arith.addi %mul3A_2, %add3A_25 : i32
    %dma_start3A_27 = arith.constant 1 : i32
    %dma_start3A_28 = arith.constant 0 : i32
    %dma_start3A_29 = tpu.memref_slice %arg8[%dma_start3A_27, %dma_start3A_28] : memref<2x80xi32, #tpu.memory_space<vmem>> -> memref<1x80xi32, #tpu.memory_space<vmem>>
    %dma_start3A_30 = tpu.memref_squeeze %dma_start3A_29 : memref<1x80xi32, #tpu.memory_space<vmem>> -> memref<80xi32, #tpu.memory_space<vmem>>
    %dma_start3A_31 = tpu.memref_slice %arg4[%add3A_26] : memref<320000xi32, #tpu.memory_space<hbm>> -> memref<80xi32, #tpu.memory_space<hbm>>
    %dma_start3A_32 = arith.constant 0 : i32
    %dma_start3A_33 = tpu.memref_slice %arg8[%dma_start3A_27, %dma_start3A_32] : memref<2x80xi32, #tpu.memory_space<vmem>> -> memref<1x80xi32, #tpu.memory_space<vmem>>
    %dma_start3A_34 = tpu.memref_squeeze %dma_start3A_33 : memref<1x80xi32, #tpu.memory_space<vmem>> -> memref<80xi32, #tpu.memory_space<vmem>>
    %dma_start3A_35 = tpu.memref_slice %arg4[%add3A_26] : memref<320000xi32, #tpu.memory_space<hbm>> -> memref<80xi32, #tpu.memory_space<hbm>>
    tpu.enqueue_dma source(%dma_start3A_35 : memref<80xi32, #tpu.memory_space<hbm>>) target(%dma_start3A_34 : memref<80xi32, #tpu.memory_space<vmem>>) target_semaphore(%arg11 : memref<!tpu.dma_semaphore, #tpu.memory_space<semaphore_mem>>)
    %dma_start3A_36 = arith.constant 1 : i32
    %dma_start3A_37 = arith.constant 0 : i32
    %dma_start3A_38 = arith.constant 0 : i32
    %dma_start3A_39 = tpu.memref_slice %arg9[%dma_start3A_36, %dma_start3A_37, %dma_start3A_38] : memref<2x80x128xf32, #tpu.memory_space<vmem>> -> memref<1x80x128xf32, #tpu.memory_space<vmem>>
    %dma_start3A_40 = tpu.memref_squeeze %dma_start3A_39 : memref<1x80x128xf32, #tpu.memory_space<vmem>> -> memref<80x128xf32, #tpu.memory_space<vmem>>
    %dma_start3A_41 = arith.constant 80 : i32
    %dma_start3A_42 = tpu.memref_slice %arg7[%dma_start3A_41] : memref<10000xi32, #tpu.memory_space<vmem>> -> memref<80xi32, #tpu.memory_space<vmem>>
    %dma_start3A_43 = arith.constant 0 : i32
    %dma_start3A_44 = arith.constant 0 : i32
    %dma_start3A_45 = tpu.memref_slice %arg2[%dma_start3A_43, %dma_start3A_44] : memref<10000x128xf32, #tpu.memory_space<hbm>> -> memref<10000x128xf32, #tpu.memory_space<hbm>>
    tpu.enqueue_indirect_dma source(%dma_start3A_45 : memref<10000x128xf32, #tpu.memory_space<hbm>>) target(%dma_start3A_40 : memref<80x128xf32, #tpu.memory_space<vmem>>) offsets(%dma_start3A_42 : memref<80xi32, #tpu.memory_space<vmem>>) semaphore(%arg11 : memref<!tpu.dma_semaphore, #tpu.memory_space<semaphore_mem>>)
    %scan3A = arith.constant 0 : i32
    %scan3A_46 = arith.constant 0 : i32
    %scan3A_47 = arith.constant 61 : i32
    %scan3A_48 = arith.addi %scan3A_46, %scan3A_47 : i32
    %scan3A_49 = arith.constant 1 : i32
    scf.for %scan3A_144 = %scan3A_46 to %scan3A_48 step %scan3A_49  : i32 {
      %mul3A_145 = arith.constant 2 : i32
      %mul3A_146 = arith.muli %scan3A_144, %mul3A_145 : i32
      %add3A_147 = arith.constant 0 : i32
      %add3A_148 = arith.addi %mul3A_146, %add3A_147 : i32
      %mul3A_149 = arith.constant 80 : i32
      %mul3A_150 = arith.muli %add3A_148, %mul3A_149 : i32
      %add3A_151 = arith.addi %mul3A_2, %mul3A_150 : i32
      %dma_wait3A_152 = arith.constant 0 : i32
      %dma_wait3A_153 = arith.constant 0 : i32
      %dma_wait3A_154 = tpu.memref_slice %arg8[%dma_wait3A_152, %dma_wait3A_153] : memref<2x80xi32, #tpu.memory_space<vmem>> -> memref<1x80xi32, #tpu.memory_space<vmem>>
      %dma_wait3A_155 = tpu.memref_squeeze %dma_wait3A_154 : memref<1x80xi32, #tpu.memory_space<vmem>> -> memref<80xi32, #tpu.memory_space<vmem>>
      %dma_wait3A_156 = tpu.memref_slice %arg4[%add3A_151] : memref<320000xi32, #tpu.memory_space<hbm>> -> memref<80xi32, #tpu.memory_space<hbm>>
      %dma_wait3A_157 = arith.constant 0 : i32
      %dma_wait3A_158 = tpu.memref_slice %arg8[%dma_wait3A_152, %dma_wait3A_157] : memref<2x80xi32, #tpu.memory_space<vmem>> -> memref<1x80xi32, #tpu.memory_space<vmem>>
      %dma_wait3A_159 = tpu.memref_squeeze %dma_wait3A_158 : memref<1x80xi32, #tpu.memory_space<vmem>> -> memref<80xi32, #tpu.memory_space<vmem>>
      %dma_wait3A_160 = tpu.memref_slice %arg4[%add3A_151] : memref<320000xi32, #tpu.memory_space<hbm>> -> memref<80xi32, #tpu.memory_space<hbm>>
      tpu.wait_dma2 semaphore(%arg10 : memref<!tpu.dma_semaphore, #tpu.memory_space<semaphore_mem>>) src(%dma_wait3A_160 : memref<80xi32, #tpu.memory_space<hbm>>) dst(%dma_wait3A_159 : memref<80xi32, #tpu.memory_space<vmem>>)
      %mul3A_161 = arith.constant 80 : i32
      %mul3A_162 = arith.muli %add3A_148, %mul3A_161 : i32
      %dma_wait3A_163 = arith.constant 0 : i32
      %dma_wait3A_164 = arith.constant 0 : i32
      %dma_wait3A_165 = arith.constant 0 : i32
      %dma_wait3A_166 = tpu.memref_slice %arg9[%dma_wait3A_163, %dma_wait3A_164, %dma_wait3A_165] : memref<2x80x128xf32, #tpu.memory_space<vmem>> -> memref<1x80x128xf32, #tpu.memory_space<vmem>>
      %dma_wait3A_167 = tpu.memref_squeeze %dma_wait3A_166 : memref<1x80x128xf32, #tpu.memory_space<vmem>> -> memref<80x128xf32, #tpu.memory_space<vmem>>
      %dma_wait3A_168 = tpu.memref_slice %arg7[%mul3A_162] : memref<10000xi32, #tpu.memory_space<vmem>> -> memref<80xi32, #tpu.memory_space<vmem>>
      %dma_wait3A_169 = arith.constant 0 : i32
      %dma_wait3A_170 = arith.constant 0 : i32
      %dma_wait3A_171 = tpu.memref_slice %arg2[%dma_wait3A_169, %dma_wait3A_170] : memref<10000x128xf32, #tpu.memory_space<hbm>> -> memref<10000x128xf32, #tpu.memory_space<hbm>>
      tpu.wait_indirect_dma semaphore(%arg10 : memref<!tpu.dma_semaphore, #tpu.memory_space<semaphore_mem>>) src(%dma_wait3A_171 : memref<10000x128xf32, #tpu.memory_space<hbm>>) dst(%dma_wait3A_167 : memref<80x128xf32, #tpu.memory_space<vmem>>)
      %add3A_172 = arith.constant 0 : i32
      %add3A_173 = arith.addi %mul3A_146, %add3A_172 : i32
      %run_scoped3A_174 = arith.constant 0 : i32
      %run_scoped3A_175 = arith.constant 0 : i32
      "tpu.region"() ({
        %run_scoped3A_259 = tpu.sem_alloc : memref<!tpu.dma_semaphore, #tpu.memory_space<semaphore_mem>>
        %dma_start3A_260 = arith.constant 0 : i32
        %dma_start3A_261 = arith.constant 0 : i32
        %dma_start3A_262 = tpu.memref_slice %arg9[%run_scoped3A_174, %dma_start3A_260, %dma_start3A_261] : memref<2x80x128xf32, #tpu.memory_space<vmem>> -> memref<1x80x128xf32, #tpu.memory_space<vmem>>
        %dma_start3A_263 = tpu.memref_squeeze %dma_start3A_262 : memref<1x80x128xf32, #tpu.memory_space<vmem>> -> memref<80x128xf32, #tpu.memory_space<vmem>>
        %dma_start3A_264 = arith.constant 0 : i32
        %dma_start3A_265 = tpu.memref_slice %arg8[%run_scoped3A_175, %dma_start3A_264] : memref<2x80xi32, #tpu.memory_space<vmem>> -> memref<1x80xi32, #tpu.memory_space<vmem>>
        %dma_start3A_266 = tpu.memref_squeeze %dma_start3A_265 : memref<1x80xi32, #tpu.memory_space<vmem>> -> memref<80xi32, #tpu.memory_space<vmem>>
        %dma_start3A_267 = arith.constant 0 : i32
        %dma_start3A_268 = arith.constant 0 : i32
        %dma_start3A_269 = tpu.memref_slice %arg12[%dma_start3A_267, %dma_start3A_268] : memref<10240x128xf32, #tpu.memory_space<vmem_shared>> -> memref<10240x128xf32, #tpu.memory_space<vmem_shared>>
        tpu.enqueue_indirect_dma source(%dma_start3A_263 : memref<80x128xf32, #tpu.memory_space<vmem>>) target(%dma_start3A_269 : memref<10240x128xf32, #tpu.memory_space<vmem_shared>>) offsets(%dma_start3A_266 : memref<80xi32, #tpu.memory_space<vmem>>) semaphore(%run_scoped3A_259 : memref<!tpu.dma_semaphore, #tpu.memory_space<semaphore_mem>>) {add = true}
        %dma_wait3A_270 = arith.constant 0 : i32
        %dma_wait3A_271 = arith.constant 0 : i32
        %dma_wait3A_272 = tpu.memref_slice %arg9[%run_scoped3A_174, %dma_wait3A_270, %dma_wait3A_271] : memref<2x80x128xf32, #tpu.memory_space<vmem>> -> memref<1x80x128xf32, #tpu.memory_space<vmem>>
        %dma_wait3A_273 = tpu.memref_squeeze %dma_wait3A_272 : memref<1x80x128xf32, #tpu.memory_space<vmem>> -> memref<80x128xf32, #tpu.memory_space<vmem>>
        %dma_wait3A_274 = arith.constant 0 : i32
        %dma_wait3A_275 = tpu.memref_slice %arg8[%run_scoped3A_175, %dma_wait3A_274] : memref<2x80xi32, #tpu.memory_space<vmem>> -> memref<1x80xi32, #tpu.memory_space<vmem>>
        %dma_wait3A_276 = tpu.memref_squeeze %dma_wait3A_275 : memref<1x80xi32, #tpu.memory_space<vmem>> -> memref<80xi32, #tpu.memory_space<vmem>>
        %dma_wait3A_277 = arith.constant 0 : i32
        %dma_wait3A_278 = arith.constant 0 : i32
        %dma_wait3A_279 = tpu.memref_slice %arg12[%dma_wait3A_277, %dma_wait3A_278] : memref<10240x128xf32, #tpu.memory_space<vmem_shared>> -> memref<10240x128xf32, #tpu.memory_space<vmem_shared>>
        tpu.wait_indirect_dma semaphore(%run_scoped3A_259 : memref<!tpu.dma_semaphore, #tpu.memory_space<semaphore_mem>>) src(%dma_wait3A_273 : memref<80x128xf32, #tpu.memory_space<vmem>>) dst(%dma_wait3A_279 : memref<10240x128xf32, #tpu.memory_space<vmem_shared>>)
        tpu.yield
      }) : () -> ()
      %add3A_176 = arith.constant 2 : i32
      %add3A_177 = arith.addi %mul3A_146, %add3A_176 : i32
      %add3A_178 = arith.constant 0 : i32
      %add3A_179 = arith.addi %add3A_177, %add3A_178 : i32
      %mul3A_180 = arith.constant 80 : i32
      %mul3A_181 = arith.muli %add3A_179, %mul3A_180 : i32
      %add3A_182 = arith.addi %mul3A_2, %mul3A_181 : i32
      %dma_start3A_183 = arith.constant 0 : i32
      %dma_start3A_184 = arith.constant 0 : i32
      %dma_start3A_185 = tpu.memref_slice %arg8[%dma_start3A_183, %dma_start3A_184] : memref<2x80xi32, #tpu.memory_space<vmem>> -> memref<1x80xi32, #tpu.memory_space<vmem>>
      %dma_start3A_186 = tpu.memref_squeeze %dma_start3A_185 : memref<1x80xi32, #tpu.memory_space<vmem>> -> memref<80xi32, #tpu.memory_space<vmem>>
      %dma_start3A_187 = tpu.memref_slice %arg4[%add3A_182] : memref<320000xi32, #tpu.memory_space<hbm>> -> memref<80xi32, #tpu.memory_space<hbm>>
      %dma_start3A_188 = arith.constant 0 : i32
      %dma_start3A_189 = tpu.memref_slice %arg8[%dma_start3A_183, %dma_start3A_188] : memref<2x80xi32, #tpu.memory_space<vmem>> -> memref<1x80xi32, #tpu.memory_space<vmem>>
      %dma_start3A_190 = tpu.memref_squeeze %dma_start3A_189 : memref<1x80xi32, #tpu.memory_space<vmem>> -> memref<80xi32, #tpu.memory_space<vmem>>
      %dma_start3A_191 = tpu.memref_slice %arg4[%add3A_182] : memref<320000xi32, #tpu.memory_space<hbm>> -> memref<80xi32, #tpu.memory_space<hbm>>
      tpu.enqueue_dma source(%dma_start3A_191 : memref<80xi32, #tpu.memory_space<hbm>>) target(%dma_start3A_190 : memref<80xi32, #tpu.memory_space<vmem>>) target_semaphore(%arg10 : memref<!tpu.dma_semaphore, #tpu.memory_space<semaphore_mem>>)
      %mul3A_192 = arith.constant 80 : i32
      %mul3A_193 = arith.muli %add3A_179, %mul3A_192 : i32
      %dma_start3A_194 = arith.constant 0 : i32
      %dma_start3A_195 = arith.constant 0 : i32
      %dma_start3A_196 = arith.constant 0 : i32
      %dma_start3A_197 = tpu.memref_slice %arg9[%dma_start3A_194, %dma_start3A_195, %dma_start3A_196] : memref<2x80x128xf32, #tpu.memory_space<vmem>> -> memref<1x80x128xf32, #tpu.memory_space<vmem>>
      %dma_start3A_198 = tpu.memref_squeeze %dma_start3A_197 : memref<1x80x128xf32, #tpu.memory_space<vmem>> -> memref<80x128xf32, #tpu.memory_space<vmem>>
      %dma_start3A_199 = tpu.memref_slice %arg7[%mul3A_193] : memref<10000xi32, #tpu.memory_space<vmem>> -> memref<80xi32, #tpu.memory_space<vmem>>
      %dma_start3A_200 = arith.constant 0 : i32
      %dma_start3A_201 = arith.constant 0 : i32
      %dma_start3A_202 = tpu.memref_slice %arg2[%dma_start3A_200, %dma_start3A_201] : memref<10000x128xf32, #tpu.memory_space<hbm>> -> memref<10000x128xf32, #tpu.memory_space<hbm>>
      tpu.enqueue_indirect_dma source(%dma_start3A_202 : memref<10000x128xf32, #tpu.memory_space<hbm>>) target(%dma_start3A_198 : memref<80x128xf32, #tpu.memory_space<vmem>>) offsets(%dma_start3A_199 : memref<80xi32, #tpu.memory_space<vmem>>) semaphore(%arg10 : memref<!tpu.dma_semaphore, #tpu.memory_space<semaphore_mem>>)
      %add3A_203 = arith.constant 1 : i32
      %add3A_204 = arith.addi %mul3A_146, %add3A_203 : i32
      %mul3A_205 = arith.constant 80 : i32
      %mul3A_206 = arith.muli %add3A_204, %mul3A_205 : i32
      %add3A_207 = arith.addi %mul3A_2, %mul3A_206 : i32
      %dma_wait3A_208 = arith.constant 1 : i32
      %dma_wait3A_209 = arith.constant 0 : i32
      %dma_wait3A_210 = tpu.memref_slice %arg8[%dma_wait3A_208, %dma_wait3A_209] : memref<2x80xi32, #tpu.memory_space<vmem>> -> memref<1x80xi32, #tpu.memory_space<vmem>>
      %dma_wait3A_211 = tpu.memref_squeeze %dma_wait3A_210 : memref<1x80xi32, #tpu.memory_space<vmem>> -> memref<80xi32, #tpu.memory_space<vmem>>
      %dma_wait3A_212 = tpu.memref_slice %arg4[%add3A_207] : memref<320000xi32, #tpu.memory_space<hbm>> -> memref<80xi32, #tpu.memory_space<hbm>>
      %dma_wait3A_213 = arith.constant 0 : i32
      %dma_wait3A_214 = tpu.memref_slice %arg8[%dma_wait3A_208, %dma_wait3A_213] : memref<2x80xi32, #tpu.memory_space<vmem>> -> memref<1x80xi32, #tpu.memory_space<vmem>>
      %dma_wait3A_215 = tpu.memref_squeeze %dma_wait3A_214 : memref<1x80xi32, #tpu.memory_space<vmem>> -> memref<80xi32, #tpu.memory_space<vmem>>
      %dma_wait3A_216 = tpu.memref_slice %arg4[%add3A_207] : memref<320000xi32, #tpu.memory_space<hbm>> -> memref<80xi32, #tpu.memory_space<hbm>>
      tpu.wait_dma2 semaphore(%arg11 : memref<!tpu.dma_semaphore, #tpu.memory_space<semaphore_mem>>) src(%dma_wait3A_216 : memref<80xi32, #tpu.memory_space<hbm>>) dst(%dma_wait3A_215 : memref<80xi32, #tpu.memory_space<vmem>>)
      %mul3A_217 = arith.constant 80 : i32
      %mul3A_218 = arith.muli %add3A_204, %mul3A_217 : i32
      %dma_wait3A_219 = arith.constant 1 : i32
      %dma_wait3A_220 = arith.constant 0 : i32
      %dma_wait3A_221 = arith.constant 0 : i32
      %dma_wait3A_222 = tpu.memref_slice %arg9[%dma_wait3A_219, %dma_wait3A_220, %dma_wait3A_221] : memref<2x80x128xf32, #tpu.memory_space<vmem>> -> memref<1x80x128xf32, #tpu.memory_space<vmem>>
      %dma_wait3A_223 = tpu.memref_squeeze %dma_wait3A_222 : memref<1x80x128xf32, #tpu.memory_space<vmem>> -> memref<80x128xf32, #tpu.memory_space<vmem>>
      %dma_wait3A_224 = tpu.memref_slice %arg7[%mul3A_218] : memref<10000xi32, #tpu.memory_space<vmem>> -> memref<80xi32, #tpu.memory_space<vmem>>
      %dma_wait3A_225 = arith.constant 0 : i32
      %dma_wait3A_226 = arith.constant 0 : i32
      %dma_wait3A_227 = tpu.memref_slice %arg2[%dma_wait3A_225, %dma_wait3A_226] : memref<10000x128xf32, #tpu.memory_space<hbm>> -> memref<10000x128xf32, #tpu.memory_space<hbm>>
      tpu.wait_indirect_dma semaphore(%arg11 : memref<!tpu.dma_semaphore, #tpu.memory_space<semaphore_mem>>) src(%dma_wait3A_227 : memref<10000x128xf32, #tpu.memory_space<hbm>>) dst(%dma_wait3A_223 : memref<80x128xf32, #tpu.memory_space<vmem>>)
      %add3A_228 = arith.constant 1 : i32
      %add3A_229 = arith.addi %mul3A_146, %add3A_228 : i32
      %run_scoped3A_230 = arith.constant 1 : i32
      %run_scoped3A_231 = arith.constant 1 : i32
      "tpu.region"() ({
        %run_scoped3A_259 = tpu.sem_alloc : memref<!tpu.dma_semaphore, #tpu.memory_space<semaphore_mem>>
        %dma_start3A_260 = arith.constant 0 : i32
        %dma_start3A_261 = arith.constant 0 : i32
        %dma_start3A_262 = tpu.memref_slice %arg9[%run_scoped3A_230, %dma_start3A_260, %dma_start3A_261] : memref<2x80x128xf32, #tpu.memory_space<vmem>> -> memref<1x80x128xf32, #tpu.memory_space<vmem>>
        %dma_start3A_263 = tpu.memref_squeeze %dma_start3A_262 : memref<1x80x128xf32, #tpu.memory_space<vmem>> -> memref<80x128xf32, #tpu.memory_space<vmem>>
        %dma_start3A_264 = arith.constant 0 : i32
        %dma_start3A_265 = tpu.memref_slice %arg8[%run_scoped3A_231, %dma_start3A_264] : memref<2x80xi32, #tpu.memory_space<vmem>> -> memref<1x80xi32, #tpu.memory_space<vmem>>
        %dma_start3A_266 = tpu.memref_squeeze %dma_start3A_265 : memref<1x80xi32, #tpu.memory_space<vmem>> -> memref<80xi32, #tpu.memory_space<vmem>>
        %dma_start3A_267 = arith.constant 0 : i32
        %dma_start3A_268 = arith.constant 0 : i32
        %dma_start3A_269 = tpu.memref_slice %arg12[%dma_start3A_267, %dma_start3A_268] : memref<10240x128xf32, #tpu.memory_space<vmem_shared>> -> memref<10240x128xf32, #tpu.memory_space<vmem_shared>>
        tpu.enqueue_indirect_dma source(%dma_start3A_263 : memref<80x128xf32, #tpu.memory_space<vmem>>) target(%dma_start3A_269 : memref<10240x128xf32, #tpu.memory_space<vmem_shared>>) offsets(%dma_start3A_266 : memref<80xi32, #tpu.memory_space<vmem>>) semaphore(%run_scoped3A_259 : memref<!tpu.dma_semaphore, #tpu.memory_space<semaphore_mem>>) {add = true}
        %dma_wait3A_270 = arith.constant 0 : i32
        %dma_wait3A_271 = arith.constant 0 : i32
        %dma_wait3A_272 = tpu.memref_slice %arg9[%run_scoped3A_230, %dma_wait3A_270, %dma_wait3A_271] : memref<2x80x128xf32, #tpu.memory_space<vmem>> -> memref<1x80x128xf32, #tpu.memory_space<vmem>>
        %dma_wait3A_273 = tpu.memref_squeeze %dma_wait3A_272 : memref<1x80x128xf32, #tpu.memory_space<vmem>> -> memref<80x128xf32, #tpu.memory_space<vmem>>
        %dma_wait3A_274 = arith.constant 0 : i32
        %dma_wait3A_275 = tpu.memref_slice %arg8[%run_scoped3A_231, %dma_wait3A_274] : memref<2x80xi32, #tpu.memory_space<vmem>> -> memref<1x80xi32, #tpu.memory_space<vmem>>
        %dma_wait3A_276 = tpu.memref_squeeze %dma_wait3A_275 : memref<1x80xi32, #tpu.memory_space<vmem>> -> memref<80xi32, #tpu.memory_space<vmem>>
        %dma_wait3A_277 = arith.constant 0 : i32
        %dma_wait3A_278 = arith.constant 0 : i32
        %dma_wait3A_279 = tpu.memref_slice %arg12[%dma_wait3A_277, %dma_wait3A_278] : memref<10240x128xf32, #tpu.memory_space<vmem_shared>> -> memref<10240x128xf32, #tpu.memory_space<vmem_shared>>
        tpu.wait_indirect_dma semaphore(%run_scoped3A_259 : memref<!tpu.dma_semaphore, #tpu.memory_space<semaphore_mem>>) src(%dma_wait3A_273 : memref<80x128xf32, #tpu.memory_space<vmem>>) dst(%dma_wait3A_279 : memref<10240x128xf32, #tpu.memory_space<vmem_shared>>)
        tpu.yield
      }) : () -> ()
      %add3A_232 = arith.constant 2 : i32
      %add3A_233 = arith.addi %mul3A_146, %add3A_232 : i32
      %add3A_234 = arith.constant 1 : i32
      %add3A_235 = arith.addi %add3A_233, %add3A_234 : i32
      %mul3A_236 = arith.constant 80 : i32
      %mul3A_237 = arith.muli %add3A_235, %mul3A_236 : i32
      %add3A_238 = arith.addi %mul3A_2, %mul3A_237 : i32
      %dma_start3A_239 = arith.constant 1 : i32
      %dma_start3A_240 = arith.constant 0 : i32
      %dma_start3A_241 = tpu.memref_slice %arg8[%dma_start3A_239, %dma_start3A_240] : memref<2x80xi32, #tpu.memory_space<vmem>> -> memref<1x80xi32, #tpu.memory_space<vmem>>
      %dma_start3A_242 = tpu.memref_squeeze %dma_start3A_241 : memref<1x80xi32, #tpu.memory_space<vmem>> -> memref<80xi32, #tpu.memory_space<vmem>>
      %dma_start3A_243 = tpu.memref_slice %arg4[%add3A_238] : memref<320000xi32, #tpu.memory_space<hbm>> -> memref<80xi32, #tpu.memory_space<hbm>>
      %dma_start3A_244 = arith.constant 0 : i32
      %dma_start3A_245 = tpu.memref_slice %arg8[%dma_start3A_239, %dma_start3A_244] : memref<2x80xi32, #tpu.memory_space<vmem>> -> memref<1x80xi32, #tpu.memory_space<vmem>>
      %dma_start3A_246 = tpu.memref_squeeze %dma_start3A_245 : memref<1x80xi32, #tpu.memory_space<vmem>> -> memref<80xi32, #tpu.memory_space<vmem>>
      %dma_start3A_247 = tpu.memref_slice %arg4[%add3A_238] : memref<320000xi32, #tpu.memory_space<hbm>> -> memref<80xi32, #tpu.memory_space<hbm>>
      tpu.enqueue_dma source(%dma_start3A_247 : memref<80xi32, #tpu.memory_space<hbm>>) target(%dma_start3A_246 : memref<80xi32, #tpu.memory_space<vmem>>) target_semaphore(%arg11 : memref<!tpu.dma_semaphore, #tpu.memory_space<semaphore_mem>>)
      %mul3A_248 = arith.constant 80 : i32
      %mul3A_249 = arith.muli %add3A_235, %mul3A_248 : i32
      %dma_start3A_250 = arith.constant 1 : i32
      %dma_start3A_251 = arith.constant 0 : i32
      %dma_start3A_252 = arith.constant 0 : i32
      %dma_start3A_253 = tpu.memref_slice %arg9[%dma_start3A_250, %dma_start3A_251, %dma_start3A_252] : memref<2x80x128xf32, #tpu.memory_space<vmem>> -> memref<1x80x128xf32, #tpu.memory_space<vmem>>
      %dma_start3A_254 = tpu.memref_squeeze %dma_start3A_253 : memref<1x80x128xf32, #tpu.memory_space<vmem>> -> memref<80x128xf32, #tpu.memory_space<vmem>>
      %dma_start3A_255 = tpu.memref_slice %arg7[%mul3A_249] : memref<10000xi32, #tpu.memory_space<vmem>> -> memref<80xi32, #tpu.memory_space<vmem>>
      %dma_start3A_256 = arith.constant 0 : i32
      %dma_start3A_257 = arith.constant 0 : i32
      %dma_start3A_258 = tpu.memref_slice %arg2[%dma_start3A_256, %dma_start3A_257] : memref<10000x128xf32, #tpu.memory_space<hbm>> -> memref<10000x128xf32, #tpu.memory_space<hbm>>
      tpu.enqueue_indirect_dma source(%dma_start3A_258 : memref<10000x128xf32, #tpu.memory_space<hbm>>) target(%dma_start3A_254 : memref<80x128xf32, #tpu.memory_space<vmem>>) offsets(%dma_start3A_255 : memref<80xi32, #tpu.memory_space<vmem>>) semaphore(%arg11 : memref<!tpu.dma_semaphore, #tpu.memory_space<semaphore_mem>>)
    }
    %scan3A_50 = arith.constant 61 : i32
    %add3A_51 = arith.constant 9760 : i32
    %add3A_52 = arith.addi %mul3A_2, %add3A_51 : i32
    %dma_wait3A = arith.constant 0 : i32
    %dma_wait3A_53 = arith.constant 0 : i32
    %dma_wait3A_54 = tpu.memref_slice %arg8[%dma_wait3A, %dma_wait3A_53] : memref<2x80xi32, #tpu.memory_space<vmem>> -> memref<1x80xi32, #tpu.memory_space<vmem>>
    %dma_wait3A_55 = tpu.memref_squeeze %dma_wait3A_54 : memref<1x80xi32, #tpu.memory_space<vmem>> -> memref<80xi32, #tpu.memory_space<vmem>>
    %dma_wait3A_56 = tpu.memref_slice %arg4[%add3A_52] : memref<320000xi32, #tpu.memory_space<hbm>> -> memref<80xi32, #tpu.memory_space<hbm>>
    %dma_wait3A_57 = arith.constant 0 : i32
    %dma_wait3A_58 = tpu.memref_slice %arg8[%dma_wait3A, %dma_wait3A_57] : memref<2x80xi32, #tpu.memory_space<vmem>> -> memref<1x80xi32, #tpu.memory_space<vmem>>
    %dma_wait3A_59 = tpu.memref_squeeze %dma_wait3A_58 : memref<1x80xi32, #tpu.memory_space<vmem>> -> memref<80xi32, #tpu.memory_space<vmem>>
    %dma_wait3A_60 = tpu.memref_slice %arg4[%add3A_52] : memref<320000xi32, #tpu.memory_space<hbm>> -> memref<80xi32, #tpu.memory_space<hbm>>
    tpu.wait_dma2 semaphore(%arg10 : memref<!tpu.dma_semaphore, #tpu.memory_space<semaphore_mem>>) src(%dma_wait3A_60 : memref<80xi32, #tpu.memory_space<hbm>>) dst(%dma_wait3A_59 : memref<80xi32, #tpu.memory_space<vmem>>)
    %dma_wait3A_61 = arith.constant 0 : i32
    %dma_wait3A_62 = arith.constant 0 : i32
    %dma_wait3A_63 = arith.constant 0 : i32
    %dma_wait3A_64 = tpu.memref_slice %arg9[%dma_wait3A_61, %dma_wait3A_62, %dma_wait3A_63] : memref<2x80x128xf32, #tpu.memory_space<vmem>> -> memref<1x80x128xf32, #tpu.memory_space<vmem>>
    %dma_wait3A_65 = tpu.memref_squeeze %dma_wait3A_64 : memref<1x80x128xf32, #tpu.memory_space<vmem>> -> memref<80x128xf32, #tpu.memory_space<vmem>>
    %dma_wait3A_66 = arith.constant 9760 : i32
    %dma_wait3A_67 = tpu.memref_slice %arg7[%dma_wait3A_66] : memref<10000xi32, #tpu.memory_space<vmem>> -> memref<80xi32, #tpu.memory_space<vmem>>
    %dma_wait3A_68 = arith.constant 0 : i32
    %dma_wait3A_69 = arith.constant 0 : i32
    %dma_wait3A_70 = tpu.memref_slice %arg2[%dma_wait3A_68, %dma_wait3A_69] : memref<10000x128xf32, #tpu.memory_space<hbm>> -> memref<10000x128xf32, #tpu.memory_space<hbm>>
    tpu.wait_indirect_dma semaphore(%arg10 : memref<!tpu.dma_semaphore, #tpu.memory_space<semaphore_mem>>) src(%dma_wait3A_70 : memref<10000x128xf32, #tpu.memory_space<hbm>>) dst(%dma_wait3A_65 : memref<80x128xf32, #tpu.memory_space<vmem>>)
    %run_scoped3A = arith.constant 0 : i32
    %run_scoped3A_71 = arith.constant 0 : i32
    "tpu.region"() ({
      %run_scoped3A_144 = tpu.sem_alloc : memref<!tpu.dma_semaphore, #tpu.memory_space<semaphore_mem>>
      %dma_start3A_145 = arith.constant 0 : i32
      %dma_start3A_146 = arith.constant 0 : i32
      %dma_start3A_147 = tpu.memref_slice %arg9[%run_scoped3A, %dma_start3A_145, %dma_start3A_146] : memref<2x80x128xf32, #tpu.memory_space<vmem>> -> memref<1x80x128xf32, #tpu.memory_space<vmem>>
      %dma_start3A_148 = tpu.memref_squeeze %dma_start3A_147 : memref<1x80x128xf32, #tpu.memory_space<vmem>> -> memref<80x128xf32, #tpu.memory_space<vmem>>
      %dma_start3A_149 = arith.constant 0 : i32
      %dma_start3A_150 = tpu.memref_slice %arg8[%run_scoped3A_71, %dma_start3A_149] : memref<2x80xi32, #tpu.memory_space<vmem>> -> memref<1x80xi32, #tpu.memory_space<vmem>>
      %dma_start3A_151 = tpu.memref_squeeze %dma_start3A_150 : memref<1x80xi32, #tpu.memory_space<vmem>> -> memref<80xi32, #tpu.memory_space<vmem>>
      %dma_start3A_152 = arith.constant 0 : i32
      %dma_start3A_153 = arith.constant 0 : i32
      %dma_start3A_154 = tpu.memref_slice %arg12[%dma_start3A_152, %dma_start3A_153] : memref<10240x128xf32, #tpu.memory_space<vmem_shared>> -> memref<10240x128xf32, #tpu.memory_space<vmem_shared>>
      tpu.enqueue_indirect_dma source(%dma_start3A_148 : memref<80x128xf32, #tpu.memory_space<vmem>>) target(%dma_start3A_154 : memref<10240x128xf32, #tpu.memory_space<vmem_shared>>) offsets(%dma_start3A_151 : memref<80xi32, #tpu.memory_space<vmem>>) semaphore(%run_scoped3A_144 : memref<!tpu.dma_semaphore, #tpu.memory_space<semaphore_mem>>) {add = true}
      %dma_wait3A_155 = arith.constant 0 : i32
      %dma_wait3A_156 = arith.constant 0 : i32
      %dma_wait3A_157 = tpu.memref_slice %arg9[%run_scoped3A, %dma_wait3A_155, %dma_wait3A_156] : memref<2x80x128xf32, #tpu.memory_space<vmem>> -> memref<1x80x128xf32, #tpu.memory_space<vmem>>
      %dma_wait3A_158 = tpu.memref_squeeze %dma_wait3A_157 : memref<1x80x128xf32, #tpu.memory_space<vmem>> -> memref<80x128xf32, #tpu.memory_space<vmem>>
      %dma_wait3A_159 = arith.constant 0 : i32
      %dma_wait3A_160 = tpu.memref_slice %arg8[%run_scoped3A_71, %dma_wait3A_159] : memref<2x80xi32, #tpu.memory_space<vmem>> -> memref<1x80xi32, #tpu.memory_space<vmem>>
      %dma_wait3A_161 = tpu.memref_squeeze %dma_wait3A_160 : memref<1x80xi32, #tpu.memory_space<vmem>> -> memref<80xi32, #tpu.memory_space<vmem>>
      %dma_wait3A_162 = arith.constant 0 : i32
      %dma_wait3A_163 = arith.constant 0 : i32
      %dma_wait3A_164 = tpu.memref_slice %arg12[%dma_wait3A_162, %dma_wait3A_163] : memref<10240x128xf32, #tpu.memory_space<vmem_shared>> -> memref<10240x128xf32, #tpu.memory_space<vmem_shared>>
      tpu.wait_indirect_dma semaphore(%run_scoped3A_144 : memref<!tpu.dma_semaphore, #tpu.memory_space<semaphore_mem>>) src(%dma_wait3A_158 : memref<80x128xf32, #tpu.memory_space<vmem>>) dst(%dma_wait3A_164 : memref<10240x128xf32, #tpu.memory_space<vmem_shared>>)
      tpu.yield
    }) : () -> ()
    %add3A_72 = arith.constant 9920 : i32
    %add3A_73 = arith.addi %mul3A_2, %add3A_72 : i32
    %dma_start3A_74 = arith.constant 0 : i32
    %dma_start3A_75 = arith.constant 0 : i32
    %dma_start3A_76 = tpu.memref_slice %arg8[%dma_start3A_74, %dma_start3A_75] : memref<2x80xi32, #tpu.memory_space<vmem>> -> memref<1x80xi32, #tpu.memory_space<vmem>>
    %dma_start3A_77 = tpu.memref_squeeze %dma_start3A_76 : memref<1x80xi32, #tpu.memory_space<vmem>> -> memref<80xi32, #tpu.memory_space<vmem>>
    %dma_start3A_78 = tpu.memref_slice %arg4[%add3A_73] : memref<320000xi32, #tpu.memory_space<hbm>> -> memref<80xi32, #tpu.memory_space<hbm>>
    %dma_start3A_79 = arith.constant 0 : i32
    %dma_start3A_80 = tpu.memref_slice %arg8[%dma_start3A_74, %dma_start3A_79] : memref<2x80xi32, #tpu.memory_space<vmem>> -> memref<1x80xi32, #tpu.memory_space<vmem>>
    %dma_start3A_81 = tpu.memref_squeeze %dma_start3A_80 : memref<1x80xi32, #tpu.memory_space<vmem>> -> memref<80xi32, #tpu.memory_space<vmem>>
    %dma_start3A_82 = tpu.memref_slice %arg4[%add3A_73] : memref<320000xi32, #tpu.memory_space<hbm>> -> memref<80xi32, #tpu.memory_space<hbm>>
    tpu.enqueue_dma source(%dma_start3A_82 : memref<80xi32, #tpu.memory_space<hbm>>) target(%dma_start3A_81 : memref<80xi32, #tpu.memory_space<vmem>>) target_semaphore(%arg10 : memref<!tpu.dma_semaphore, #tpu.memory_space<semaphore_mem>>)
    %dma_start3A_83 = arith.constant 0 : i32
    %dma_start3A_84 = arith.constant 0 : i32
    %dma_start3A_85 = arith.constant 0 : i32
    %dma_start3A_86 = tpu.memref_slice %arg9[%dma_start3A_83, %dma_start3A_84, %dma_start3A_85] : memref<2x80x128xf32, #tpu.memory_space<vmem>> -> memref<1x80x128xf32, #tpu.memory_space<vmem>>
    %dma_start3A_87 = tpu.memref_squeeze %dma_start3A_86 : memref<1x80x128xf32, #tpu.memory_space<vmem>> -> memref<80x128xf32, #tpu.memory_space<vmem>>
    %dma_start3A_88 = arith.constant 9920 : i32
    %dma_start3A_89 = tpu.memref_slice %arg7[%dma_start3A_88] : memref<10000xi32, #tpu.memory_space<vmem>> -> memref<80xi32, #tpu.memory_space<vmem>>
    %dma_start3A_90 = arith.constant 0 : i32
    %dma_start3A_91 = arith.constant 0 : i32
    %dma_start3A_92 = tpu.memref_slice %arg2[%dma_start3A_90, %dma_start3A_91] : memref<10000x128xf32, #tpu.memory_space<hbm>> -> memref<10000x128xf32, #tpu.memory_space<hbm>>
    tpu.enqueue_indirect_dma source(%dma_start3A_92 : memref<10000x128xf32, #tpu.memory_space<hbm>>) target(%dma_start3A_87 : memref<80x128xf32, #tpu.memory_space<vmem>>) offsets(%dma_start3A_89 : memref<80xi32, #tpu.memory_space<vmem>>) semaphore(%arg10 : memref<!tpu.dma_semaphore, #tpu.memory_space<semaphore_mem>>)
    %add3A_93 = arith.constant 9840 : i32
    %add3A_94 = arith.addi %mul3A_2, %add3A_93 : i32
    %dma_wait3A_95 = arith.constant 1 : i32
    %dma_wait3A_96 = arith.constant 0 : i32
    %dma_wait3A_97 = tpu.memref_slice %arg8[%dma_wait3A_95, %dma_wait3A_96] : memref<2x80xi32, #tpu.memory_space<vmem>> -> memref<1x80xi32, #tpu.memory_space<vmem>>
    %dma_wait3A_98 = tpu.memref_squeeze %dma_wait3A_97 : memref<1x80xi32, #tpu.memory_space<vmem>> -> memref<80xi32, #tpu.memory_space<vmem>>
    %dma_wait3A_99 = tpu.memref_slice %arg4[%add3A_94] : memref<320000xi32, #tpu.memory_space<hbm>> -> memref<80xi32, #tpu.memory_space<hbm>>
    %dma_wait3A_100 = arith.constant 0 : i32
    %dma_wait3A_101 = tpu.memref_slice %arg8[%dma_wait3A_95, %dma_wait3A_100] : memref<2x80xi32, #tpu.memory_space<vmem>> -> memref<1x80xi32, #tpu.memory_space<vmem>>
    %dma_wait3A_102 = tpu.memref_squeeze %dma_wait3A_101 : memref<1x80xi32, #tpu.memory_space<vmem>> -> memref<80xi32, #tpu.memory_space<vmem>>
    %dma_wait3A_103 = tpu.memref_slice %arg4[%add3A_94] : memref<320000xi32, #tpu.memory_space<hbm>> -> memref<80xi32, #tpu.memory_space<hbm>>
    tpu.wait_dma2 semaphore(%arg11 : memref<!tpu.dma_semaphore, #tpu.memory_space<semaphore_mem>>) src(%dma_wait3A_103 : memref<80xi32, #tpu.memory_space<hbm>>) dst(%dma_wait3A_102 : memref<80xi32, #tpu.memory_space<vmem>>)
    %dma_wait3A_104 = arith.constant 1 : i32
    %dma_wait3A_105 = arith.constant 0 : i32
    %dma_wait3A_106 = arith.constant 0 : i32
    %dma_wait3A_107 = tpu.memref_slice %arg9[%dma_wait3A_104, %dma_wait3A_105, %dma_wait3A_106] : memref<2x80x128xf32, #tpu.memory_space<vmem>> -> memref<1x80x128xf32, #tpu.memory_space<vmem>>
    %dma_wait3A_108 = tpu.memref_squeeze %dma_wait3A_107 : memref<1x80x128xf32, #tpu.memory_space<vmem>> -> memref<80x128xf32, #tpu.memory_space<vmem>>
    %dma_wait3A_109 = arith.constant 9840 : i32
    %dma_wait3A_110 = tpu.memref_slice %arg7[%dma_wait3A_109] : memref<10000xi32, #tpu.memory_space<vmem>> -> memref<80xi32, #tpu.memory_space<vmem>>
    %dma_wait3A_111 = arith.constant 0 : i32
    %dma_wait3A_112 = arith.constant 0 : i32
    %dma_wait3A_113 = tpu.memref_slice %arg2[%dma_wait3A_111, %dma_wait3A_112] : memref<10000x128xf32, #tpu.memory_space<hbm>> -> memref<10000x128xf32, #tpu.memory_space<hbm>>
    tpu.wait_indirect_dma semaphore(%arg11 : memref<!tpu.dma_semaphore, #tpu.memory_space<semaphore_mem>>) src(%dma_wait3A_113 : memref<10000x128xf32, #tpu.memory_space<hbm>>) dst(%dma_wait3A_108 : memref<80x128xf32, #tpu.memory_space<vmem>>)
    %run_scoped3A_114 = arith.constant 1 : i32
    %run_scoped3A_115 = arith.constant 1 : i32
    "tpu.region"() ({
      %run_scoped3A_144 = tpu.sem_alloc : memref<!tpu.dma_semaphore, #tpu.memory_space<semaphore_mem>>
      %dma_start3A_145 = arith.constant 0 : i32
      %dma_start3A_146 = arith.constant 0 : i32
      %dma_start3A_147 = tpu.memref_slice %arg9[%run_scoped3A_114, %dma_start3A_145, %dma_start3A_146] : memref<2x80x128xf32, #tpu.memory_space<vmem>> -> memref<1x80x128xf32, #tpu.memory_space<vmem>>
      %dma_start3A_148 = tpu.memref_squeeze %dma_start3A_147 : memref<1x80x128xf32, #tpu.memory_space<vmem>> -> memref<80x128xf32, #tpu.memory_space<vmem>>
      %dma_start3A_149 = arith.constant 0 : i32
      %dma_start3A_150 = tpu.memref_slice %arg8[%run_scoped3A_115, %dma_start3A_149] : memref<2x80xi32, #tpu.memory_space<vmem>> -> memref<1x80xi32, #tpu.memory_space<vmem>>
      %dma_start3A_151 = tpu.memref_squeeze %dma_start3A_150 : memref<1x80xi32, #tpu.memory_space<vmem>> -> memref<80xi32, #tpu.memory_space<vmem>>
      %dma_start3A_152 = arith.constant 0 : i32
      %dma_start3A_153 = arith.constant 0 : i32
      %dma_start3A_154 = tpu.memref_slice %arg12[%dma_start3A_152, %dma_start3A_153] : memref<10240x128xf32, #tpu.memory_space<vmem_shared>> -> memref<10240x128xf32, #tpu.memory_space<vmem_shared>>
      tpu.enqueue_indirect_dma source(%dma_start3A_148 : memref<80x128xf32, #tpu.memory_space<vmem>>) target(%dma_start3A_154 : memref<10240x128xf32, #tpu.memory_space<vmem_shared>>) offsets(%dma_start3A_151 : memref<80xi32, #tpu.memory_space<vmem>>) semaphore(%run_scoped3A_144 : memref<!tpu.dma_semaphore, #tpu.memory_space<semaphore_mem>>) {add = true}
      %dma_wait3A_155 = arith.constant 0 : i32
      %dma_wait3A_156 = arith.constant 0 : i32
      %dma_wait3A_157 = tpu.memref_slice %arg9[%run_scoped3A_114, %dma_wait3A_155, %dma_wait3A_156] : memref<2x80x128xf32, #tpu.memory_space<vmem>> -> memref<1x80x128xf32, #tpu.memory_space<vmem>>
      %dma_wait3A_158 = tpu.memref_squeeze %dma_wait3A_157 : memref<1x80x128xf32, #tpu.memory_space<vmem>> -> memref<80x128xf32, #tpu.memory_space<vmem>>
      %dma_wait3A_159 = arith.constant 0 : i32
      %dma_wait3A_160 = tpu.memref_slice %arg8[%run_scoped3A_115, %dma_wait3A_159] : memref<2x80xi32, #tpu.memory_space<vmem>> -> memref<1x80xi32, #tpu.memory_space<vmem>>
      %dma_wait3A_161 = tpu.memref_squeeze %dma_wait3A_160 : memref<1x80xi32, #tpu.memory_space<vmem>> -> memref<80xi32, #tpu.memory_space<vmem>>
      %dma_wait3A_162 = arith.constant 0 : i32
      %dma_wait3A_163 = arith.constant 0 : i32
      %dma_wait3A_164 = tpu.memref_slice %arg12[%dma_wait3A_162, %dma_wait3A_163] : memref<10240x128xf32, #tpu.memory_space<vmem_shared>> -> memref<10240x128xf32, #tpu.memory_space<vmem_shared>>
      tpu.wait_indirect_dma semaphore(%run_scoped3A_144 : memref<!tpu.dma_semaphore, #tpu.memory_space<semaphore_mem>>) src(%dma_wait3A_158 : memref<80x128xf32, #tpu.memory_space<vmem>>) dst(%dma_wait3A_164 : memref<10240x128xf32, #tpu.memory_space<vmem_shared>>)
      tpu.yield
    }) : () -> ()
    %add3A_116 = arith.constant 9920 : i32
    %add3A_117 = arith.addi %mul3A_2, %add3A_116 : i32
    %dma_wait3A_118 = arith.constant 0 : i32
    %dma_wait3A_119 = arith.constant 0 : i32
    %dma_wait3A_120 = tpu.memref_slice %arg8[%dma_wait3A_118, %dma_wait3A_119] : memref<2x80xi32, #tpu.memory_space<vmem>> -> memref<1x80xi32, #tpu.memory_space<vmem>>
    %dma_wait3A_121 = tpu.memref_squeeze %dma_wait3A_120 : memref<1x80xi32, #tpu.memory_space<vmem>> -> memref<80xi32, #tpu.memory_space<vmem>>
    %dma_wait3A_122 = tpu.memref_slice %arg4[%add3A_117] : memref<320000xi32, #tpu.memory_space<hbm>> -> memref<80xi32, #tpu.memory_space<hbm>>
    %dma_wait3A_123 = arith.constant 0 : i32
    %dma_wait3A_124 = tpu.memref_slice %arg8[%dma_wait3A_118, %dma_wait3A_123] : memref<2x80xi32, #tpu.memory_space<vmem>> -> memref<1x80xi32, #tpu.memory_space<vmem>>
    %dma_wait3A_125 = tpu.memref_squeeze %dma_wait3A_124 : memref<1x80xi32, #tpu.memory_space<vmem>> -> memref<80xi32, #tpu.memory_space<vmem>>
    %dma_wait3A_126 = tpu.memref_slice %arg4[%add3A_117] : memref<320000xi32, #tpu.memory_space<hbm>> -> memref<80xi32, #tpu.memory_space<hbm>>
    tpu.wait_dma2 semaphore(%arg10 : memref<!tpu.dma_semaphore, #tpu.memory_space<semaphore_mem>>) src(%dma_wait3A_126 : memref<80xi32, #tpu.memory_space<hbm>>) dst(%dma_wait3A_125 : memref<80xi32, #tpu.memory_space<vmem>>)
    %dma_wait3A_127 = arith.constant 0 : i32
    %dma_wait3A_128 = arith.constant 0 : i32
    %dma_wait3A_129 = arith.constant 0 : i32
    %dma_wait3A_130 = tpu.memref_slice %arg9[%dma_wait3A_127, %dma_wait3A_128, %dma_wait3A_129] : memref<2x80x128xf32, #tpu.memory_space<vmem>> -> memref<1x80x128xf32, #tpu.memory_space<vmem>>
    %dma_wait3A_131 = tpu.memref_squeeze %dma_wait3A_130 : memref<1x80x128xf32, #tpu.memory_space<vmem>> -> memref<80x128xf32, #tpu.memory_space<vmem>>
    %dma_wait3A_132 = arith.constant 9920 : i32
    %dma_wait3A_133 = tpu.memref_slice %arg7[%dma_wait3A_132] : memref<10000xi32, #tpu.memory_space<vmem>> -> memref<80xi32, #tpu.memory_space<vmem>>
    %dma_wait3A_134 = arith.constant 0 : i32
    %dma_wait3A_135 = arith.constant 0 : i32
    %dma_wait3A_136 = tpu.memref_slice %arg2[%dma_wait3A_134, %dma_wait3A_135] : memref<10000x128xf32, #tpu.memory_space<hbm>> -> memref<10000x128xf32, #tpu.memory_space<hbm>>
    tpu.wait_indirect_dma semaphore(%arg10 : memref<!tpu.dma_semaphore, #tpu.memory_space<semaphore_mem>>) src(%dma_wait3A_136 : memref<10000x128xf32, #tpu.memory_space<hbm>>) dst(%dma_wait3A_131 : memref<80x128xf32, #tpu.memory_space<vmem>>)
    %run_scoped3A_137 = arith.constant 0 : i32
    %run_scoped3A_138 = arith.constant 0 : i32
    "tpu.region"() ({
      %run_scoped3A_144 = tpu.sem_alloc : memref<!tpu.dma_semaphore, #tpu.memory_space<semaphore_mem>>
      %dma_start3A_145 = arith.constant 0 : i32
      %dma_start3A_146 = arith.constant 0 : i32
      %dma_start3A_147 = tpu.memref_slice %arg9[%run_scoped3A_137, %dma_start3A_145, %dma_start3A_146] : memref<2x80x128xf32, #tpu.memory_space<vmem>> -> memref<1x80x128xf32, #tpu.memory_space<vmem>>
      %dma_start3A_148 = tpu.memref_squeeze %dma_start3A_147 : memref<1x80x128xf32, #tpu.memory_space<vmem>> -> memref<80x128xf32, #tpu.memory_space<vmem>>
      %dma_start3A_149 = arith.constant 0 : i32
      %dma_start3A_150 = tpu.memref_slice %arg8[%run_scoped3A_138, %dma_start3A_149] : memref<2x80xi32, #tpu.memory_space<vmem>> -> memref<1x80xi32, #tpu.memory_space<vmem>>
      %dma_start3A_151 = tpu.memref_squeeze %dma_start3A_150 : memref<1x80xi32, #tpu.memory_space<vmem>> -> memref<80xi32, #tpu.memory_space<vmem>>
      %dma_start3A_152 = arith.constant 0 : i32
      %dma_start3A_153 = arith.constant 0 : i32
      %dma_start3A_154 = tpu.memref_slice %arg12[%dma_start3A_152, %dma_start3A_153] : memref<10240x128xf32, #tpu.memory_space<vmem_shared>> -> memref<10240x128xf32, #tpu.memory_space<vmem_shared>>
      tpu.enqueue_indirect_dma source(%dma_start3A_148 : memref<80x128xf32, #tpu.memory_space<vmem>>) target(%dma_start3A_154 : memref<10240x128xf32, #tpu.memory_space<vmem_shared>>) offsets(%dma_start3A_151 : memref<80xi32, #tpu.memory_space<vmem>>) semaphore(%run_scoped3A_144 : memref<!tpu.dma_semaphore, #tpu.memory_space<semaphore_mem>>) {add = true}
      %dma_wait3A_155 = arith.constant 0 : i32
      %dma_wait3A_156 = arith.constant 0 : i32
      %dma_wait3A_157 = tpu.memref_slice %arg9[%run_scoped3A_137, %dma_wait3A_155, %dma_wait3A_156] : memref<2x80x128xf32, #tpu.memory_space<vmem>> -> memref<1x80x128xf32, #tpu.memory_space<vmem>>
      %dma_wait3A_158 = tpu.memref_squeeze %dma_wait3A_157 : memref<1x80x128xf32, #tpu.memory_space<vmem>> -> memref<80x128xf32, #tpu.memory_space<vmem>>
      %dma_wait3A_159 = arith.constant 0 : i32
      %dma_wait3A_160 = tpu.memref_slice %arg8[%run_scoped3A_138, %dma_wait3A_159] : memref<2x80xi32, #tpu.memory_space<vmem>> -> memref<1x80xi32, #tpu.memory_space<vmem>>
      %dma_wait3A_161 = tpu.memref_squeeze %dma_wait3A_160 : memref<1x80xi32, #tpu.memory_space<vmem>> -> memref<80xi32, #tpu.memory_space<vmem>>
      %dma_wait3A_162 = arith.constant 0 : i32
      %dma_wait3A_163 = arith.constant 0 : i32
      %dma_wait3A_164 = tpu.memref_slice %arg12[%dma_wait3A_162, %dma_wait3A_163] : memref<10240x128xf32, #tpu.memory_space<vmem_shared>> -> memref<10240x128xf32, #tpu.memory_space<vmem_shared>>
      tpu.wait_indirect_dma semaphore(%run_scoped3A_144 : memref<!tpu.dma_semaphore, #tpu.memory_space<semaphore_mem>>) src(%dma_wait3A_158 : memref<80x128xf32, #tpu.memory_space<vmem>>) dst(%dma_wait3A_164 : memref<10240x128xf32, #tpu.memory_space<vmem_shared>>)
      tpu.yield
    }) : () -> ()
    %barrier3A_139 = arith.constant 0 : index
    tpu.barrier barrier_id(%barrier3A_139)
    %mul3A_140 = arith.constant 640 : i32
    %mul3A_141 = arith.muli %arg1, %mul3A_140 : i32
    %mul3A_142 = arith.constant 640 : i32
    %mul3A_143 = arith.muli %arg1, %mul3A_142 : i32
    "tpu.region"() ({
      %run_scoped3A_144 = tpu.sem_alloc : memref<!tpu.dma_semaphore, #tpu.memory_space<semaphore_mem>>
      %dma_start3A_145 = arith.constant 0 : i32
      %dma_start3A_146 = tpu.memref_slice %arg6[%arg0, %mul3A_143, %dma_start3A_145] : memref<2x10240x128xf32, #tpu.memory_space<hbm>> -> memref<1x640x128xf32, #tpu.memory_space<hbm>>
      %dma_start3A_147 = tpu.memref_squeeze %dma_start3A_146 : memref<1x640x128xf32, #tpu.memory_space<hbm>> -> memref<640x128xf32, #tpu.memory_space<hbm>>
      %dma_start3A_148 = arith.constant 0 : i32
      %dma_start3A_149 = tpu.memref_slice %arg12[%mul3A_141, %dma_start3A_148] : memref<10240x128xf32, #tpu.memory_space<vmem_shared>> -> memref<640x128xf32, #tpu.memory_space<vmem_shared>>
      tpu.enqueue_dma source(%dma_start3A_149 : memref<640x128xf32, #tpu.memory_space<vmem_shared>>) target(%dma_start3A_147 : memref<640x128xf32, #tpu.memory_space<hbm>>) target_semaphore(%run_scoped3A_144 : memref<!tpu.dma_semaphore, #tpu.memory_space<semaphore_mem>>)
      %dma_wait3A_150 = arith.constant 0 : i32
      %dma_wait3A_151 = tpu.memref_slice %arg6[%arg0, %mul3A_143, %dma_wait3A_150] : memref<2x10240x128xf32, #tpu.memory_space<hbm>> -> memref<1x640x128xf32, #tpu.memory_space<hbm>>
      %dma_wait3A_152 = tpu.memref_squeeze %dma_wait3A_151 : memref<1x640x128xf32, #tpu.memory_space<hbm>> -> memref<640x128xf32, #tpu.memory_space<hbm>>
      %dma_wait3A_153 = arith.constant 0 : i32
      %dma_wait3A_154 = tpu.memref_slice %arg12[%mul3A_141, %dma_wait3A_153] : memref<10240x128xf32, #tpu.memory_space<vmem_shared>> -> memref<640x128xf32, #tpu.memory_space<vmem_shared>>
      tpu.wait_dma2 semaphore(%run_scoped3A_144 : memref<!tpu.dma_semaphore, #tpu.memory_space<semaphore_mem>>) src(%dma_wait3A_154 : memref<640x128xf32, #tpu.memory_space<vmem_shared>>) dst(%dma_wait3A_152 : memref<640x128xf32, #tpu.memory_space<hbm>>)
      tpu.yield
    }) : () -> ()
    return
  }
}

#map = affine_map<(d0, d1) -> (0, 0, 0)>
#map1 = affine_map<(d0, d1) -> (0)>
#map2 = affine_map<(d0, d1) -> (0, 0)>
module attributes {stable_mosaic.version = 14 : i64} {
  func.func @_sc_degree(%arg0: i32, %arg1: i32, %arg2: memref<32x125x80xi32, #tpu.memory_space<hbm>>, %arg3: memref<80xf32, #tpu.memory_space<hbm>>, %arg4: memref<640xf32, #tpu.memory_space<hbm>>, %arg5: memref<2x10240xf32, #tpu.memory_space<hbm>>, %arg6: memref<125x80xi32, #tpu.memory_space<vmem>>, %arg7: memref<80xf32, #tpu.memory_space<vmem>>, %arg8: memref<10240xf32, #tpu.memory_space<vmem_shared>>) attributes {dimension_semantics = [#tpu.dimension_semantics<core_parallel>, #tpu.dimension_semantics<subcore_parallel>], iteration_bounds = array<i64: 2, 16>, scalar_prefetch = 0 : i64, scratch_operands = 3 : i64, tpu.core_type = #tpu.core_type<sc_vector_subcore>, window_params = [{transform_indices = #map}, {transform_indices = #map1}, {transform_indices = #map1}, {transform_indices = #map2}]} {
    %mul3A = arith.constant 2 : i32
    %mul3A_0 = arith.muli %arg1, %mul3A : i32
    %add3A = arith.addi %mul3A_0, %arg0 : i32
    %mul3A_1 = arith.constant 640 : i32
    %mul3A_2 = arith.muli %arg1, %mul3A_1 : i32
    "tpu.region"() ({
      %run_scoped3A = tpu.sem_alloc : memref<!tpu.dma_semaphore, #tpu.memory_space<semaphore_mem>>
      %dma_start3A = tpu.memref_slice %arg8[%mul3A_2] : memref<10240xf32, #tpu.memory_space<vmem_shared>> -> memref<640xf32, #tpu.memory_space<vmem_shared>>
      tpu.enqueue_dma source(%arg4 : memref<640xf32, #tpu.memory_space<hbm>>) target(%dma_start3A : memref<640xf32, #tpu.memory_space<vmem_shared>>) target_semaphore(%run_scoped3A : memref<!tpu.dma_semaphore, #tpu.memory_space<semaphore_mem>>)
      %dma_wait3A = tpu.memref_slice %arg8[%mul3A_2] : memref<10240xf32, #tpu.memory_space<vmem_shared>> -> memref<640xf32, #tpu.memory_space<vmem_shared>>
      tpu.wait_dma2 semaphore(%run_scoped3A : memref<!tpu.dma_semaphore, #tpu.memory_space<semaphore_mem>>) src(%arg4 : memref<640xf32, #tpu.memory_space<hbm>>) dst(%dma_wait3A : memref<640xf32, #tpu.memory_space<vmem_shared>>)
      tpu.yield
    }) : () -> ()
    "tpu.region"() ({
      %run_scoped3A = tpu.sem_alloc : memref<!tpu.dma_semaphore, #tpu.memory_space<semaphore_mem>>
      %dma_start3A = arith.constant 0 : i32
      %dma_start3A_13 = arith.constant 0 : i32
      %dma_start3A_14 = tpu.memref_slice %arg2[%add3A, %dma_start3A, %dma_start3A_13] : memref<32x125x80xi32, #tpu.memory_space<hbm>> -> memref<1x125x80xi32, #tpu.memory_space<hbm>>
      %dma_start3A_15 = tpu.memref_squeeze %dma_start3A_14 : memref<1x125x80xi32, #tpu.memory_space<hbm>> -> memref<125x80xi32, #tpu.memory_space<hbm>>
      %dma_start3A_16 = arith.constant 0 : i32
      %dma_start3A_17 = arith.constant 0 : i32
      %dma_start3A_18 = tpu.memref_slice %arg2[%add3A, %dma_start3A_16, %dma_start3A_17] : memref<32x125x80xi32, #tpu.memory_space<hbm>> -> memref<1x125x80xi32, #tpu.memory_space<hbm>>
      %dma_start3A_19 = tpu.memref_squeeze %dma_start3A_18 : memref<1x125x80xi32, #tpu.memory_space<hbm>> -> memref<125x80xi32, #tpu.memory_space<hbm>>
      tpu.enqueue_dma source(%dma_start3A_19 : memref<125x80xi32, #tpu.memory_space<hbm>>) target(%arg6 : memref<125x80xi32, #tpu.memory_space<vmem>>) target_semaphore(%run_scoped3A : memref<!tpu.dma_semaphore, #tpu.memory_space<semaphore_mem>>)
      %dma_wait3A = arith.constant 0 : i32
      %dma_wait3A_20 = arith.constant 0 : i32
      %dma_wait3A_21 = tpu.memref_slice %arg2[%add3A, %dma_wait3A, %dma_wait3A_20] : memref<32x125x80xi32, #tpu.memory_space<hbm>> -> memref<1x125x80xi32, #tpu.memory_space<hbm>>
      %dma_wait3A_22 = tpu.memref_squeeze %dma_wait3A_21 : memref<1x125x80xi32, #tpu.memory_space<hbm>> -> memref<125x80xi32, #tpu.memory_space<hbm>>
      %dma_wait3A_23 = arith.constant 0 : i32
      %dma_wait3A_24 = arith.constant 0 : i32
      %dma_wait3A_25 = tpu.memref_slice %arg2[%add3A, %dma_wait3A_23, %dma_wait3A_24] : memref<32x125x80xi32, #tpu.memory_space<hbm>> -> memref<1x125x80xi32, #tpu.memory_space<hbm>>
      %dma_wait3A_26 = tpu.memref_squeeze %dma_wait3A_25 : memref<1x125x80xi32, #tpu.memory_space<hbm>> -> memref<125x80xi32, #tpu.memory_space<hbm>>
      tpu.wait_dma2 semaphore(%run_scoped3A : memref<!tpu.dma_semaphore, #tpu.memory_space<semaphore_mem>>) src(%dma_wait3A_26 : memref<125x80xi32, #tpu.memory_space<hbm>>) dst(%arg6 : memref<125x80xi32, #tpu.memory_space<vmem>>)
      tpu.yield
    }) : () -> ()
    "tpu.region"() ({
      %run_scoped3A = tpu.sem_alloc : memref<!tpu.dma_semaphore, #tpu.memory_space<semaphore_mem>>
      tpu.enqueue_dma source(%arg3 : memref<80xf32, #tpu.memory_space<hbm>>) target(%arg7 : memref<80xf32, #tpu.memory_space<vmem>>) target_semaphore(%run_scoped3A : memref<!tpu.dma_semaphore, #tpu.memory_space<semaphore_mem>>)
      tpu.wait_dma2 semaphore(%run_scoped3A : memref<!tpu.dma_semaphore, #tpu.memory_space<semaphore_mem>>) src(%arg3 : memref<80xf32, #tpu.memory_space<hbm>>) dst(%arg7 : memref<80xf32, #tpu.memory_space<vmem>>)
      tpu.yield
    }) : () -> ()
    %barrier3A = arith.constant 0 : index
    tpu.barrier barrier_id(%barrier3A)
    %scan3A = arith.constant 0 : i32
    %scan3A_3 = arith.constant 0 : i32
    %scan3A_4 = arith.constant 125 : i32
    %scan3A_5 = arith.addi %scan3A_3, %scan3A_4 : i32
    %scan3A_6 = arith.constant 1 : i32
    scf.for %scan3A_13 = %scan3A_3 to %scan3A_5 step %scan3A_6  : i32 {
      "tpu.region"() ({
        %run_scoped3A = tpu.sem_alloc : memref<!tpu.dma_semaphore, #tpu.memory_space<semaphore_mem>>
        %dma_start3A = arith.constant 0 : i32
        %dma_start3A_14 = tpu.memref_slice %arg6[%scan3A_13, %dma_start3A] : memref<125x80xi32, #tpu.memory_space<vmem>> -> memref<1x80xi32, #tpu.memory_space<vmem>>
        %dma_start3A_15 = tpu.memref_squeeze %dma_start3A_14 : memref<1x80xi32, #tpu.memory_space<vmem>> -> memref<80xi32, #tpu.memory_space<vmem>>
        %dma_start3A_16 = arith.constant 0 : i32
        %dma_start3A_17 = tpu.memref_slice %arg8[%dma_start3A_16] : memref<10240xf32, #tpu.memory_space<vmem_shared>> -> memref<10240xf32, #tpu.memory_space<vmem_shared>>
        tpu.enqueue_indirect_dma source(%arg7 : memref<80xf32, #tpu.memory_space<vmem>>) target(%dma_start3A_17 : memref<10240xf32, #tpu.memory_space<vmem_shared>>) offsets(%dma_start3A_15 : memref<80xi32, #tpu.memory_space<vmem>>) semaphore(%run_scoped3A : memref<!tpu.dma_semaphore, #tpu.memory_space<semaphore_mem>>) {add = true}
        %dma_wait3A = arith.constant 0 : i32
        %dma_wait3A_18 = tpu.memref_slice %arg6[%scan3A_13, %dma_wait3A] : memref<125x80xi32, #tpu.memory_space<vmem>> -> memref<1x80xi32, #tpu.memory_space<vmem>>
        %dma_wait3A_19 = tpu.memref_squeeze %dma_wait3A_18 : memref<1x80xi32, #tpu.memory_space<vmem>> -> memref<80xi32, #tpu.memory_space<vmem>>
        %dma_wait3A_20 = arith.constant 0 : i32
        %dma_wait3A_21 = tpu.memref_slice %arg8[%dma_wait3A_20] : memref<10240xf32, #tpu.memory_space<vmem_shared>> -> memref<10240xf32, #tpu.memory_space<vmem_shared>>
        tpu.wait_indirect_dma semaphore(%run_scoped3A : memref<!tpu.dma_semaphore, #tpu.memory_space<semaphore_mem>>) src(%arg7 : memref<80xf32, #tpu.memory_space<vmem>>) dst(%dma_wait3A_21 : memref<10240xf32, #tpu.memory_space<vmem_shared>>)
        tpu.yield
      }) : () -> ()
    }
    %scan3A_7 = arith.constant 125 : i32
    %barrier3A_8 = arith.constant 0 : index
    tpu.barrier barrier_id(%barrier3A_8)
    %mul3A_9 = arith.constant 640 : i32
    %mul3A_10 = arith.muli %arg1, %mul3A_9 : i32
    %mul3A_11 = arith.constant 640 : i32
    %mul3A_12 = arith.muli %arg1, %mul3A_11 : i32
    "tpu.region"() ({
      %run_scoped3A = tpu.sem_alloc : memref<!tpu.dma_semaphore, #tpu.memory_space<semaphore_mem>>
      %dma_start3A = tpu.memref_slice %arg5[%arg0, %mul3A_12] : memref<2x10240xf32, #tpu.memory_space<hbm>> -> memref<1x640xf32, #tpu.memory_space<hbm>>
      %dma_start3A_13 = tpu.memref_squeeze %dma_start3A : memref<1x640xf32, #tpu.memory_space<hbm>> -> memref<640xf32, #tpu.memory_space<hbm>>
      %dma_start3A_14 = tpu.memref_slice %arg8[%mul3A_10] : memref<10240xf32, #tpu.memory_space<vmem_shared>> -> memref<640xf32, #tpu.memory_space<vmem_shared>>
      tpu.enqueue_dma source(%dma_start3A_14 : memref<640xf32, #tpu.memory_space<vmem_shared>>) target(%dma_start3A_13 : memref<640xf32, #tpu.memory_space<hbm>>) target_semaphore(%run_scoped3A : memref<!tpu.dma_semaphore, #tpu.memory_space<semaphore_mem>>)
      %dma_wait3A = tpu.memref_slice %arg5[%arg0, %mul3A_12] : memref<2x10240xf32, #tpu.memory_space<hbm>> -> memref<1x640xf32, #tpu.memory_space<hbm>>
      %dma_wait3A_15 = tpu.memref_squeeze %dma_wait3A : memref<1x640xf32, #tpu.memory_space<hbm>> -> memref<640xf32, #tpu.memory_space<hbm>>
      %dma_wait3A_16 = tpu.memref_slice %arg8[%mul3A_10] : memref<10240xf32, #tpu.memory_space<vmem_shared>> -> memref<640xf32, #tpu.memory_space<vmem_shared>>
      tpu.wait_dma2 semaphore(%run_scoped3A : memref<!tpu.dma_semaphore, #tpu.memory_space<semaphore_mem>>) src(%dma_wait3A_16 : memref<640xf32, #tpu.memory_space<vmem_shared>>) dst(%dma_wait3A_15 : memref<640xf32, #tpu.memory_space<hbm>>)
      tpu.yield
    }) : () -> ()
    return
  }
}

#map = affine_map<(d0, d1) -> (0, 0)>
#map1 = affine_map<(d0, d1) -> (0)>
#map2 = affine_map<(d0, d1) -> (0, 0, 0)>
module attributes {stable_mosaic.version = 14 : i64} {
  func.func @_sc_scatter_rows(%arg0: i32, %arg1: i32, %arg2: memref<10000x128xf32, #tpu.memory_space<hbm>>, %arg3: memref<320000xi32, #tpu.memory_space<hbm>>, %arg4: memref<320000xi32, #tpu.memory_space<hbm>>, %arg5: memref<640x128xf32, #tpu.memory_space<hbm>>, %arg6: memref<2x10240x128xf32, #tpu.memory_space<hbm>>, %arg7: memref<10000xi32, #tpu.memory_space<vmem>>, %arg8: memref<2x80xi32, #tpu.memory_space<vmem>>, %arg9: memref<2x80x128xf32, #tpu.memory_space<vmem>>, %arg10: memref<!tpu.dma_semaphore, #tpu.memory_space<semaphore_mem>>, %arg11: memref<!tpu.dma_semaphore, #tpu.memory_space<semaphore_mem>>, %arg12: memref<10240x128xf32, #tpu.memory_space<vmem_shared>>) attributes {dimension_semantics = [#tpu.dimension_semantics<core_parallel>, #tpu.dimension_semantics<subcore_parallel>], iteration_bounds = array<i64: 2, 16>, scalar_prefetch = 0 : i64, scratch_operands = 6 : i64, tpu.core_type = #tpu.core_type<sc_vector_subcore>, window_params = [{transform_indices = #map}, {transform_indices = #map1}, {transform_indices = #map1}, {transform_indices = #map}, {transform_indices = #map2}]} {
    %mul3A = arith.constant 2 : i32
    %mul3A_0 = arith.muli %arg1, %mul3A : i32
    %add3A = arith.addi %mul3A_0, %arg0 : i32
    %mul3A_1 = arith.constant 10000 : i32
    %mul3A_2 = arith.muli %add3A, %mul3A_1 : i32
    %mul3A_3 = arith.constant 640 : i32
    %mul3A_4 = arith.muli %arg1, %mul3A_3 : i32
    "tpu.region"() ({
      %run_scoped3A_144 = tpu.sem_alloc : memref<!tpu.dma_semaphore, #tpu.memory_space<semaphore_mem>>
      %dma_start3A_145 = arith.constant 0 : i32
      %dma_start3A_146 = tpu.memref_slice %arg12[%mul3A_4, %dma_start3A_145] : memref<10240x128xf32, #tpu.memory_space<vmem_shared>> -> memref<640x128xf32, #tpu.memory_space<vmem_shared>>
      tpu.enqueue_dma source(%arg5 : memref<640x128xf32, #tpu.memory_space<hbm>>) target(%dma_start3A_146 : memref<640x128xf32, #tpu.memory_space<vmem_shared>>) target_semaphore(%run_scoped3A_144 : memref<!tpu.dma_semaphore, #tpu.memory_space<semaphore_mem>>)
      %dma_wait3A_147 = arith.constant 0 : i32
      %dma_wait3A_148 = tpu.memref_slice %arg12[%mul3A_4, %dma_wait3A_147] : memref<10240x128xf32, #tpu.memory_space<vmem_shared>> -> memref<640x128xf32, #tpu.memory_space<vmem_shared>>
      tpu.wait_dma2 semaphore(%run_scoped3A_144 : memref<!tpu.dma_semaphore, #tpu.memory_space<semaphore_mem>>) src(%arg5 : memref<640x128xf32, #tpu.memory_space<hbm>>) dst(%dma_wait3A_148 : memref<640x128xf32, #tpu.memory_space<vmem_shared>>)
      tpu.yield
    }) : () -> ()
    "tpu.region"() ({
      %run_scoped3A_144 = tpu.sem_alloc : memref<!tpu.dma_semaphore, #tpu.memory_space<semaphore_mem>>
      %dma_start3A_145 = tpu.memref_slice %arg3[%mul3A_2] : memref<320000xi32, #tpu.memory_space<hbm>> -> memref<10000xi32, #tpu.memory_space<hbm>>
      %dma_start3A_146 = tpu.memref_slice %arg3[%mul3A_2] : memref<320000xi32, #tpu.memory_space<hbm>> -> memref<10000xi32, #tpu.memory_space<hbm>>
      tpu.enqueue_dma source(%dma_start3A_146 : memref<10000xi32, #tpu.memory_space<hbm>>) target(%arg7 : memref<10000xi32, #tpu.memory_space<vmem>>) target_semaphore(%run_scoped3A_144 : memref<!tpu.dma_semaphore, #tpu.memory_space<semaphore_mem>>)
      %dma_wait3A_147 = tpu.memref_slice %arg3[%mul3A_2] : memref<320000xi32, #tpu.memory_space<hbm>> -> memref<10000xi32, #tpu.memory_space<hbm>>
      %dma_wait3A_148 = tpu.memref_slice %arg3[%mul3A_2] : memref<320000xi32, #tpu.memory_space<hbm>> -> memref<10000xi32, #tpu.memory_space<hbm>>
      tpu.wait_dma2 semaphore(%run_scoped3A_144 : memref<!tpu.dma_semaphore, #tpu.memory_space<semaphore_mem>>) src(%dma_wait3A_148 : memref<10000xi32, #tpu.memory_space<hbm>>) dst(%arg7 : memref<10000xi32, #tpu.memory_space<vmem>>)
      tpu.yield
    }) : () -> ()
    %barrier3A = arith.constant 0 : index
    tpu.barrier barrier_id(%barrier3A)
    %add3A_5 = arith.constant 0 : i32
    %add3A_6 = arith.addi %mul3A_2, %add3A_5 : i32
    %dma_start3A = arith.constant 0 : i32
    %dma_start3A_7 = arith.constant 0 : i32
    %dma_start3A_8 = tpu.memref_slice %arg8[%dma_start3A, %dma_start3A_7] : memref<2x80xi32, #tpu.memory_space<vmem>> -> memref<1x80xi32, #tpu.memory_space<vmem>>
    %dma_start3A_9 = tpu.memref_squeeze %dma_start3A_8 : memref<1x80xi32, #tpu.memory_space<vmem>> -> memref<80xi32, #tpu.memory_space<vmem>>
    %dma_start3A_10 = tpu.memref_slice %arg4[%add3A_6] : memref<320000xi32, #tpu.memory_space<hbm>> -> memref<80xi32, #tpu.memory_space<hbm>>
    %dma_start3A_11 = arith.constant 0 : i32
    %dma_start3A_12 = tpu.memref_slice %arg8[%dma_start3A, %dma_start3A_11] : memref<2x80xi32, #tpu.memory_space<vmem>> -> memref<1x80xi32, #tpu.memory_space<vmem>>
    %dma_start3A_13 = tpu.memref_squeeze %dma_start3A_12 : memref<1x80xi32, #tpu.memory_space<vmem>> -> memref<80xi32, #tpu.memory_space<vmem>>
    %dma_start3A_14 = tpu.memref_slice %arg4[%add3A_6] : memref<320000xi32, #tpu.memory_space<hbm>> -> memref<80xi32, #tpu.memory_space<hbm>>
    tpu.enqueue_dma source(%dma_start3A_14 : memref<80xi32, #tpu.memory_space<hbm>>) target(%dma_start3A_13 : memref<80xi32, #tpu.memory_space<vmem>>) target_semaphore(%arg10 : memref<!tpu.dma_semaphore, #tpu.memory_space<semaphore_mem>>)
    %dma_start3A_15 = arith.constant 0 : i32
    %dma_start3A_16 = arith.constant 0 : i32
    %dma_start3A_17 = arith.constant 0 : i32
    %dma_start3A_18 = tpu.memref_slice %arg9[%dma_start3A_15, %dma_start3A_16, %dma_start3A_17] : memref<2x80x128xf32, #tpu.memory_space<vmem>> -> memref<1x80x128xf32, #tpu.memory_space<vmem>>
    %dma_start3A_19 = tpu.memref_squeeze %dma_start3A_18 : memref<1x80x128xf32, #tpu.memory_space<vmem>> -> memref<80x128xf32, #tpu.memory_space<vmem>>
    %dma_start3A_20 = arith.constant 0 : i32
    %dma_start3A_21 = tpu.memref_slice %arg7[%dma_start3A_20] : memref<10000xi32, #tpu.memory_space<vmem>> -> memref<80xi32, #tpu.memory_space<vmem>>
    %dma_start3A_22 = arith.constant 0 : i32
    %dma_start3A_23 = arith.constant 0 : i32
    %dma_start3A_24 = tpu.memref_slice %arg2[%dma_start3A_22, %dma_start3A_23] : memref<10000x128xf32, #tpu.memory_space<hbm>> -> memref<10000x128xf32, #tpu.memory_space<hbm>>
    tpu.enqueue_indirect_dma source(%dma_start3A_24 : memref<10000x128xf32, #tpu.memory_space<hbm>>) target(%dma_start3A_19 : memref<80x128xf32, #tpu.memory_space<vmem>>) offsets(%dma_start3A_21 : memref<80xi32, #tpu.memory_space<vmem>>) semaphore(%arg10 : memref<!tpu.dma_semaphore, #tpu.memory_space<semaphore_mem>>)
    %add3A_25 = arith.constant 80 : i32
    %add3A_26 = arith.addi %mul3A_2, %add3A_25 : i32
    %dma_start3A_27 = arith.constant 1 : i32
    %dma_start3A_28 = arith.constant 0 : i32
    %dma_start3A_29 = tpu.memref_slice %arg8[%dma_start3A_27, %dma_start3A_28] : memref<2x80xi32, #tpu.memory_space<vmem>> -> memref<1x80xi32, #tpu.memory_space<vmem>>
    %dma_start3A_30 = tpu.memref_squeeze %dma_start3A_29 : memref<1x80xi32, #tpu.memory_space<vmem>> -> memref<80xi32, #tpu.memory_space<vmem>>
    %dma_start3A_31 = tpu.memref_slice %arg4[%add3A_26] : memref<320000xi32, #tpu.memory_space<hbm>> -> memref<80xi32, #tpu.memory_space<hbm>>
    %dma_start3A_32 = arith.constant 0 : i32
    %dma_start3A_33 = tpu.memref_slice %arg8[%dma_start3A_27, %dma_start3A_32] : memref<2x80xi32, #tpu.memory_space<vmem>> -> memref<1x80xi32, #tpu.memory_space<vmem>>
    %dma_start3A_34 = tpu.memref_squeeze %dma_start3A_33 : memref<1x80xi32, #tpu.memory_space<vmem>> -> memref<80xi32, #tpu.memory_space<vmem>>
    %dma_start3A_35 = tpu.memref_slice %arg4[%add3A_26] : memref<320000xi32, #tpu.memory_space<hbm>> -> memref<80xi32, #tpu.memory_space<hbm>>
    tpu.enqueue_dma source(%dma_start3A_35 : memref<80xi32, #tpu.memory_space<hbm>>) target(%dma_start3A_34 : memref<80xi32, #tpu.memory_space<vmem>>) target_semaphore(%arg11 : memref<!tpu.dma_semaphore, #tpu.memory_space<semaphore_mem>>)
    %dma_start3A_36 = arith.constant 1 : i32
    %dma_start3A_37 = arith.constant 0 : i32
    %dma_start3A_38 = arith.constant 0 : i32
    %dma_start3A_39 = tpu.memref_slice %arg9[%dma_start3A_36, %dma_start3A_37, %dma_start3A_38] : memref<2x80x128xf32, #tpu.memory_space<vmem>> -> memref<1x80x128xf32, #tpu.memory_space<vmem>>
    %dma_start3A_40 = tpu.memref_squeeze %dma_start3A_39 : memref<1x80x128xf32, #tpu.memory_space<vmem>> -> memref<80x128xf32, #tpu.memory_space<vmem>>
    %dma_start3A_41 = arith.constant 80 : i32
    %dma_start3A_42 = tpu.memref_slice %arg7[%dma_start3A_41] : memref<10000xi32, #tpu.memory_space<vmem>> -> memref<80xi32, #tpu.memory_space<vmem>>
    %dma_start3A_43 = arith.constant 0 : i32
    %dma_start3A_44 = arith.constant 0 : i32
    %dma_start3A_45 = tpu.memref_slice %arg2[%dma_start3A_43, %dma_start3A_44] : memref<10000x128xf32, #tpu.memory_space<hbm>> -> memref<10000x128xf32, #tpu.memory_space<hbm>>
    tpu.enqueue_indirect_dma source(%dma_start3A_45 : memref<10000x128xf32, #tpu.memory_space<hbm>>) target(%dma_start3A_40 : memref<80x128xf32, #tpu.memory_space<vmem>>) offsets(%dma_start3A_42 : memref<80xi32, #tpu.memory_space<vmem>>) semaphore(%arg11 : memref<!tpu.dma_semaphore, #tpu.memory_space<semaphore_mem>>)
    %scan3A = arith.constant 0 : i32
    %scan3A_46 = arith.constant 0 : i32
    %scan3A_47 = arith.constant 61 : i32
    %scan3A_48 = arith.addi %scan3A_46, %scan3A_47 : i32
    %scan3A_49 = arith.constant 1 : i32
    scf.for %scan3A_144 = %scan3A_46 to %scan3A_48 step %scan3A_49  : i32 {
      %mul3A_145 = arith.constant 2 : i32
      %mul3A_146 = arith.muli %scan3A_144, %mul3A_145 : i32
      %add3A_147 = arith.constant 0 : i32
      %add3A_148 = arith.addi %mul3A_146, %add3A_147 : i32
      %mul3A_149 = arith.constant 80 : i32
      %mul3A_150 = arith.muli %add3A_148, %mul3A_149 : i32
      %add3A_151 = arith.addi %mul3A_2, %mul3A_150 : i32
      %dma_wait3A_152 = arith.constant 0 : i32
      %dma_wait3A_153 = arith.constant 0 : i32
      %dma_wait3A_154 = tpu.memref_slice %arg8[%dma_wait3A_152, %dma_wait3A_153] : memref<2x80xi32, #tpu.memory_space<vmem>> -> memref<1x80xi32, #tpu.memory_space<vmem>>
      %dma_wait3A_155 = tpu.memref_squeeze %dma_wait3A_154 : memref<1x80xi32, #tpu.memory_space<vmem>> -> memref<80xi32, #tpu.memory_space<vmem>>
      %dma_wait3A_156 = tpu.memref_slice %arg4[%add3A_151] : memref<320000xi32, #tpu.memory_space<hbm>> -> memref<80xi32, #tpu.memory_space<hbm>>
      %dma_wait3A_157 = arith.constant 0 : i32
      %dma_wait3A_158 = tpu.memref_slice %arg8[%dma_wait3A_152, %dma_wait3A_157] : memref<2x80xi32, #tpu.memory_space<vmem>> -> memref<1x80xi32, #tpu.memory_space<vmem>>
      %dma_wait3A_159 = tpu.memref_squeeze %dma_wait3A_158 : memref<1x80xi32, #tpu.memory_space<vmem>> -> memref<80xi32, #tpu.memory_space<vmem>>
      %dma_wait3A_160 = tpu.memref_slice %arg4[%add3A_151] : memref<320000xi32, #tpu.memory_space<hbm>> -> memref<80xi32, #tpu.memory_space<hbm>>
      tpu.wait_dma2 semaphore(%arg10 : memref<!tpu.dma_semaphore, #tpu.memory_space<semaphore_mem>>) src(%dma_wait3A_160 : memref<80xi32, #tpu.memory_space<hbm>>) dst(%dma_wait3A_159 : memref<80xi32, #tpu.memory_space<vmem>>)
      %mul3A_161 = arith.constant 80 : i32
      %mul3A_162 = arith.muli %add3A_148, %mul3A_161 : i32
      %dma_wait3A_163 = arith.constant 0 : i32
      %dma_wait3A_164 = arith.constant 0 : i32
      %dma_wait3A_165 = arith.constant 0 : i32
      %dma_wait3A_166 = tpu.memref_slice %arg9[%dma_wait3A_163, %dma_wait3A_164, %dma_wait3A_165] : memref<2x80x128xf32, #tpu.memory_space<vmem>> -> memref<1x80x128xf32, #tpu.memory_space<vmem>>
      %dma_wait3A_167 = tpu.memref_squeeze %dma_wait3A_166 : memref<1x80x128xf32, #tpu.memory_space<vmem>> -> memref<80x128xf32, #tpu.memory_space<vmem>>
      %dma_wait3A_168 = tpu.memref_slice %arg7[%mul3A_162] : memref<10000xi32, #tpu.memory_space<vmem>> -> memref<80xi32, #tpu.memory_space<vmem>>
      %dma_wait3A_169 = arith.constant 0 : i32
      %dma_wait3A_170 = arith.constant 0 : i32
      %dma_wait3A_171 = tpu.memref_slice %arg2[%dma_wait3A_169, %dma_wait3A_170] : memref<10000x128xf32, #tpu.memory_space<hbm>> -> memref<10000x128xf32, #tpu.memory_space<hbm>>
      tpu.wait_indirect_dma semaphore(%arg10 : memref<!tpu.dma_semaphore, #tpu.memory_space<semaphore_mem>>) src(%dma_wait3A_171 : memref<10000x128xf32, #tpu.memory_space<hbm>>) dst(%dma_wait3A_167 : memref<80x128xf32, #tpu.memory_space<vmem>>)
      %add3A_172 = arith.constant 0 : i32
      %add3A_173 = arith.addi %mul3A_146, %add3A_172 : i32
      %run_scoped3A_174 = arith.constant 0 : i32
      %run_scoped3A_175 = arith.constant 0 : i32
      "tpu.region"() ({
        %run_scoped3A_259 = tpu.sem_alloc : memref<!tpu.dma_semaphore, #tpu.memory_space<semaphore_mem>>
        %dma_start3A_260 = arith.constant 0 : i32
        %dma_start3A_261 = arith.constant 0 : i32
        %dma_start3A_262 = tpu.memref_slice %arg9[%run_scoped3A_174, %dma_start3A_260, %dma_start3A_261] : memref<2x80x128xf32, #tpu.memory_space<vmem>> -> memref<1x80x128xf32, #tpu.memory_space<vmem>>
        %dma_start3A_263 = tpu.memref_squeeze %dma_start3A_262 : memref<1x80x128xf32, #tpu.memory_space<vmem>> -> memref<80x128xf32, #tpu.memory_space<vmem>>
        %dma_start3A_264 = arith.constant 0 : i32
        %dma_start3A_265 = tpu.memref_slice %arg8[%run_scoped3A_175, %dma_start3A_264] : memref<2x80xi32, #tpu.memory_space<vmem>> -> memref<1x80xi32, #tpu.memory_space<vmem>>
        %dma_start3A_266 = tpu.memref_squeeze %dma_start3A_265 : memref<1x80xi32, #tpu.memory_space<vmem>> -> memref<80xi32, #tpu.memory_space<vmem>>
        %dma_start3A_267 = arith.constant 0 : i32
        %dma_start3A_268 = arith.constant 0 : i32
        %dma_start3A_269 = tpu.memref_slice %arg12[%dma_start3A_267, %dma_start3A_268] : memref<10240x128xf32, #tpu.memory_space<vmem_shared>> -> memref<10240x128xf32, #tpu.memory_space<vmem_shared>>
        tpu.enqueue_indirect_dma source(%dma_start3A_263 : memref<80x128xf32, #tpu.memory_space<vmem>>) target(%dma_start3A_269 : memref<10240x128xf32, #tpu.memory_space<vmem_shared>>) offsets(%dma_start3A_266 : memref<80xi32, #tpu.memory_space<vmem>>) semaphore(%run_scoped3A_259 : memref<!tpu.dma_semaphore, #tpu.memory_space<semaphore_mem>>) {add = true}
        %dma_wait3A_270 = arith.constant 0 : i32
        %dma_wait3A_271 = arith.constant 0 : i32
        %dma_wait3A_272 = tpu.memref_slice %arg9[%run_scoped3A_174, %dma_wait3A_270, %dma_wait3A_271] : memref<2x80x128xf32, #tpu.memory_space<vmem>> -> memref<1x80x128xf32, #tpu.memory_space<vmem>>
        %dma_wait3A_273 = tpu.memref_squeeze %dma_wait3A_272 : memref<1x80x128xf32, #tpu.memory_space<vmem>> -> memref<80x128xf32, #tpu.memory_space<vmem>>
        %dma_wait3A_274 = arith.constant 0 : i32
        %dma_wait3A_275 = tpu.memref_slice %arg8[%run_scoped3A_175, %dma_wait3A_274] : memref<2x80xi32, #tpu.memory_space<vmem>> -> memref<1x80xi32, #tpu.memory_space<vmem>>
        %dma_wait3A_276 = tpu.memref_squeeze %dma_wait3A_275 : memref<1x80xi32, #tpu.memory_space<vmem>> -> memref<80xi32, #tpu.memory_space<vmem>>
        %dma_wait3A_277 = arith.constant 0 : i32
        %dma_wait3A_278 = arith.constant 0 : i32
        %dma_wait3A_279 = tpu.memref_slice %arg12[%dma_wait3A_277, %dma_wait3A_278] : memref<10240x128xf32, #tpu.memory_space<vmem_shared>> -> memref<10240x128xf32, #tpu.memory_space<vmem_shared>>
        tpu.wait_indirect_dma semaphore(%run_scoped3A_259 : memref<!tpu.dma_semaphore, #tpu.memory_space<semaphore_mem>>) src(%dma_wait3A_273 : memref<80x128xf32, #tpu.memory_space<vmem>>) dst(%dma_wait3A_279 : memref<10240x128xf32, #tpu.memory_space<vmem_shared>>)
        tpu.yield
      }) : () -> ()
      %add3A_176 = arith.constant 2 : i32
      %add3A_177 = arith.addi %mul3A_146, %add3A_176 : i32
      %add3A_178 = arith.constant 0 : i32
      %add3A_179 = arith.addi %add3A_177, %add3A_178 : i32
      %mul3A_180 = arith.constant 80 : i32
      %mul3A_181 = arith.muli %add3A_179, %mul3A_180 : i32
      %add3A_182 = arith.addi %mul3A_2, %mul3A_181 : i32
      %dma_start3A_183 = arith.constant 0 : i32
      %dma_start3A_184 = arith.constant 0 : i32
      %dma_start3A_185 = tpu.memref_slice %arg8[%dma_start3A_183, %dma_start3A_184] : memref<2x80xi32, #tpu.memory_space<vmem>> -> memref<1x80xi32, #tpu.memory_space<vmem>>
      %dma_start3A_186 = tpu.memref_squeeze %dma_start3A_185 : memref<1x80xi32, #tpu.memory_space<vmem>> -> memref<80xi32, #tpu.memory_space<vmem>>
      %dma_start3A_187 = tpu.memref_slice %arg4[%add3A_182] : memref<320000xi32, #tpu.memory_space<hbm>> -> memref<80xi32, #tpu.memory_space<hbm>>
      %dma_start3A_188 = arith.constant 0 : i32
      %dma_start3A_189 = tpu.memref_slice %arg8[%dma_start3A_183, %dma_start3A_188] : memref<2x80xi32, #tpu.memory_space<vmem>> -> memref<1x80xi32, #tpu.memory_space<vmem>>
      %dma_start3A_190 = tpu.memref_squeeze %dma_start3A_189 : memref<1x80xi32, #tpu.memory_space<vmem>> -> memref<80xi32, #tpu.memory_space<vmem>>
      %dma_start3A_191 = tpu.memref_slice %arg4[%add3A_182] : memref<320000xi32, #tpu.memory_space<hbm>> -> memref<80xi32, #tpu.memory_space<hbm>>
      tpu.enqueue_dma source(%dma_start3A_191 : memref<80xi32, #tpu.memory_space<hbm>>) target(%dma_start3A_190 : memref<80xi32, #tpu.memory_space<vmem>>) target_semaphore(%arg10 : memref<!tpu.dma_semaphore, #tpu.memory_space<semaphore_mem>>)
      %mul3A_192 = arith.constant 80 : i32
      %mul3A_193 = arith.muli %add3A_179, %mul3A_192 : i32
      %dma_start3A_194 = arith.constant 0 : i32
      %dma_start3A_195 = arith.constant 0 : i32
      %dma_start3A_196 = arith.constant 0 : i32
      %dma_start3A_197 = tpu.memref_slice %arg9[%dma_start3A_194, %dma_start3A_195, %dma_start3A_196] : memref<2x80x128xf32, #tpu.memory_space<vmem>> -> memref<1x80x128xf32, #tpu.memory_space<vmem>>
      %dma_start3A_198 = tpu.memref_squeeze %dma_start3A_197 : memref<1x80x128xf32, #tpu.memory_space<vmem>> -> memref<80x128xf32, #tpu.memory_space<vmem>>
      %dma_start3A_199 = tpu.memref_slice %arg7[%mul3A_193] : memref<10000xi32, #tpu.memory_space<vmem>> -> memref<80xi32, #tpu.memory_space<vmem>>
      %dma_start3A_200 = arith.constant 0 : i32
      %dma_start3A_201 = arith.constant 0 : i32
      %dma_start3A_202 = tpu.memref_slice %arg2[%dma_start3A_200, %dma_start3A_201] : memref<10000x128xf32, #tpu.memory_space<hbm>> -> memref<10000x128xf32, #tpu.memory_space<hbm>>
      tpu.enqueue_indirect_dma source(%dma_start3A_202 : memref<10000x128xf32, #tpu.memory_space<hbm>>) target(%dma_start3A_198 : memref<80x128xf32, #tpu.memory_space<vmem>>) offsets(%dma_start3A_199 : memref<80xi32, #tpu.memory_space<vmem>>) semaphore(%arg10 : memref<!tpu.dma_semaphore, #tpu.memory_space<semaphore_mem>>)
      %add3A_203 = arith.constant 1 : i32
      %add3A_204 = arith.addi %mul3A_146, %add3A_203 : i32
      %mul3A_205 = arith.constant 80 : i32
      %mul3A_206 = arith.muli %add3A_204, %mul3A_205 : i32
      %add3A_207 = arith.addi %mul3A_2, %mul3A_206 : i32
      %dma_wait3A_208 = arith.constant 1 : i32
      %dma_wait3A_209 = arith.constant 0 : i32
      %dma_wait3A_210 = tpu.memref_slice %arg8[%dma_wait3A_208, %dma_wait3A_209] : memref<2x80xi32, #tpu.memory_space<vmem>> -> memref<1x80xi32, #tpu.memory_space<vmem>>
      %dma_wait3A_211 = tpu.memref_squeeze %dma_wait3A_210 : memref<1x80xi32, #tpu.memory_space<vmem>> -> memref<80xi32, #tpu.memory_space<vmem>>
      %dma_wait3A_212 = tpu.memref_slice %arg4[%add3A_207] : memref<320000xi32, #tpu.memory_space<hbm>> -> memref<80xi32, #tpu.memory_space<hbm>>
      %dma_wait3A_213 = arith.constant 0 : i32
      %dma_wait3A_214 = tpu.memref_slice %arg8[%dma_wait3A_208, %dma_wait3A_213] : memref<2x80xi32, #tpu.memory_space<vmem>> -> memref<1x80xi32, #tpu.memory_space<vmem>>
      %dma_wait3A_215 = tpu.memref_squeeze %dma_wait3A_214 : memref<1x80xi32, #tpu.memory_space<vmem>> -> memref<80xi32, #tpu.memory_space<vmem>>
      %dma_wait3A_216 = tpu.memref_slice %arg4[%add3A_207] : memref<320000xi32, #tpu.memory_space<hbm>> -> memref<80xi32, #tpu.memory_space<hbm>>
      tpu.wait_dma2 semaphore(%arg11 : memref<!tpu.dma_semaphore, #tpu.memory_space<semaphore_mem>>) src(%dma_wait3A_216 : memref<80xi32, #tpu.memory_space<hbm>>) dst(%dma_wait3A_215 : memref<80xi32, #tpu.memory_space<vmem>>)
      %mul3A_217 = arith.constant 80 : i32
      %mul3A_218 = arith.muli %add3A_204, %mul3A_217 : i32
      %dma_wait3A_219 = arith.constant 1 : i32
      %dma_wait3A_220 = arith.constant 0 : i32
      %dma_wait3A_221 = arith.constant 0 : i32
      %dma_wait3A_222 = tpu.memref_slice %arg9[%dma_wait3A_219, %dma_wait3A_220, %dma_wait3A_221] : memref<2x80x128xf32, #tpu.memory_space<vmem>> -> memref<1x80x128xf32, #tpu.memory_space<vmem>>
      %dma_wait3A_223 = tpu.memref_squeeze %dma_wait3A_222 : memref<1x80x128xf32, #tpu.memory_space<vmem>> -> memref<80x128xf32, #tpu.memory_space<vmem>>
      %dma_wait3A_224 = tpu.memref_slice %arg7[%mul3A_218] : memref<10000xi32, #tpu.memory_space<vmem>> -> memref<80xi32, #tpu.memory_space<vmem>>
      %dma_wait3A_225 = arith.constant 0 : i32
      %dma_wait3A_226 = arith.constant 0 : i32
      %dma_wait3A_227 = tpu.memref_slice %arg2[%dma_wait3A_225, %dma_wait3A_226] : memref<10000x128xf32, #tpu.memory_space<hbm>> -> memref<10000x128xf32, #tpu.memory_space<hbm>>
      tpu.wait_indirect_dma semaphore(%arg11 : memref<!tpu.dma_semaphore, #tpu.memory_space<semaphore_mem>>) src(%dma_wait3A_227 : memref<10000x128xf32, #tpu.memory_space<hbm>>) dst(%dma_wait3A_223 : memref<80x128xf32, #tpu.memory_space<vmem>>)
      %add3A_228 = arith.constant 1 : i32
      %add3A_229 = arith.addi %mul3A_146, %add3A_228 : i32
      %run_scoped3A_230 = arith.constant 1 : i32
      %run_scoped3A_231 = arith.constant 1 : i32
      "tpu.region"() ({
        %run_scoped3A_259 = tpu.sem_alloc : memref<!tpu.dma_semaphore, #tpu.memory_space<semaphore_mem>>
        %dma_start3A_260 = arith.constant 0 : i32
        %dma_start3A_261 = arith.constant 0 : i32
        %dma_start3A_262 = tpu.memref_slice %arg9[%run_scoped3A_230, %dma_start3A_260, %dma_start3A_261] : memref<2x80x128xf32, #tpu.memory_space<vmem>> -> memref<1x80x128xf32, #tpu.memory_space<vmem>>
        %dma_start3A_263 = tpu.memref_squeeze %dma_start3A_262 : memref<1x80x128xf32, #tpu.memory_space<vmem>> -> memref<80x128xf32, #tpu.memory_space<vmem>>
        %dma_start3A_264 = arith.constant 0 : i32
        %dma_start3A_265 = tpu.memref_slice %arg8[%run_scoped3A_231, %dma_start3A_264] : memref<2x80xi32, #tpu.memory_space<vmem>> -> memref<1x80xi32, #tpu.memory_space<vmem>>
        %dma_start3A_266 = tpu.memref_squeeze %dma_start3A_265 : memref<1x80xi32, #tpu.memory_space<vmem>> -> memref<80xi32, #tpu.memory_space<vmem>>
        %dma_start3A_267 = arith.constant 0 : i32
        %dma_start3A_268 = arith.constant 0 : i32
        %dma_start3A_269 = tpu.memref_slice %arg12[%dma_start3A_267, %dma_start3A_268] : memref<10240x128xf32, #tpu.memory_space<vmem_shared>> -> memref<10240x128xf32, #tpu.memory_space<vmem_shared>>
        tpu.enqueue_indirect_dma source(%dma_start3A_263 : memref<80x128xf32, #tpu.memory_space<vmem>>) target(%dma_start3A_269 : memref<10240x128xf32, #tpu.memory_space<vmem_shared>>) offsets(%dma_start3A_266 : memref<80xi32, #tpu.memory_space<vmem>>) semaphore(%run_scoped3A_259 : memref<!tpu.dma_semaphore, #tpu.memory_space<semaphore_mem>>) {add = true}
        %dma_wait3A_270 = arith.constant 0 : i32
        %dma_wait3A_271 = arith.constant 0 : i32
        %dma_wait3A_272 = tpu.memref_slice %arg9[%run_scoped3A_230, %dma_wait3A_270, %dma_wait3A_271] : memref<2x80x128xf32, #tpu.memory_space<vmem>> -> memref<1x80x128xf32, #tpu.memory_space<vmem>>
        %dma_wait3A_273 = tpu.memref_squeeze %dma_wait3A_272 : memref<1x80x128xf32, #tpu.memory_space<vmem>> -> memref<80x128xf32, #tpu.memory_space<vmem>>
        %dma_wait3A_274 = arith.constant 0 : i32
        %dma_wait3A_275 = tpu.memref_slice %arg8[%run_scoped3A_231, %dma_wait3A_274] : memref<2x80xi32, #tpu.memory_space<vmem>> -> memref<1x80xi32, #tpu.memory_space<vmem>>
        %dma_wait3A_276 = tpu.memref_squeeze %dma_wait3A_275 : memref<1x80xi32, #tpu.memory_space<vmem>> -> memref<80xi32, #tpu.memory_space<vmem>>
        %dma_wait3A_277 = arith.constant 0 : i32
        %dma_wait3A_278 = arith.constant 0 : i32
        %dma_wait3A_279 = tpu.memref_slice %arg12[%dma_wait3A_277, %dma_wait3A_278] : memref<10240x128xf32, #tpu.memory_space<vmem_shared>> -> memref<10240x128xf32, #tpu.memory_space<vmem_shared>>
        tpu.wait_indirect_dma semaphore(%run_scoped3A_259 : memref<!tpu.dma_semaphore, #tpu.memory_space<semaphore_mem>>) src(%dma_wait3A_273 : memref<80x128xf32, #tpu.memory_space<vmem>>) dst(%dma_wait3A_279 : memref<10240x128xf32, #tpu.memory_space<vmem_shared>>)
        tpu.yield
      }) : () -> ()
      %add3A_232 = arith.constant 2 : i32
      %add3A_233 = arith.addi %mul3A_146, %add3A_232 : i32
      %add3A_234 = arith.constant 1 : i32
      %add3A_235 = arith.addi %add3A_233, %add3A_234 : i32
      %mul3A_236 = arith.constant 80 : i32
      %mul3A_237 = arith.muli %add3A_235, %mul3A_236 : i32
      %add3A_238 = arith.addi %mul3A_2, %mul3A_237 : i32
      %dma_start3A_239 = arith.constant 1 : i32
      %dma_start3A_240 = arith.constant 0 : i32
      %dma_start3A_241 = tpu.memref_slice %arg8[%dma_start3A_239, %dma_start3A_240] : memref<2x80xi32, #tpu.memory_space<vmem>> -> memref<1x80xi32, #tpu.memory_space<vmem>>
      %dma_start3A_242 = tpu.memref_squeeze %dma_start3A_241 : memref<1x80xi32, #tpu.memory_space<vmem>> -> memref<80xi32, #tpu.memory_space<vmem>>
      %dma_start3A_243 = tpu.memref_slice %arg4[%add3A_238] : memref<320000xi32, #tpu.memory_space<hbm>> -> memref<80xi32, #tpu.memory_space<hbm>>
      %dma_start3A_244 = arith.constant 0 : i32
      %dma_start3A_245 = tpu.memref_slice %arg8[%dma_start3A_239, %dma_start3A_244] : memref<2x80xi32, #tpu.memory_space<vmem>> -> memref<1x80xi32, #tpu.memory_space<vmem>>
      %dma_start3A_246 = tpu.memref_squeeze %dma_start3A_245 : memref<1x80xi32, #tpu.memory_space<vmem>> -> memref<80xi32, #tpu.memory_space<vmem>>
      %dma_start3A_247 = tpu.memref_slice %arg4[%add3A_238] : memref<320000xi32, #tpu.memory_space<hbm>> -> memref<80xi32, #tpu.memory_space<hbm>>
      tpu.enqueue_dma source(%dma_start3A_247 : memref<80xi32, #tpu.memory_space<hbm>>) target(%dma_start3A_246 : memref<80xi32, #tpu.memory_space<vmem>>) target_semaphore(%arg11 : memref<!tpu.dma_semaphore, #tpu.memory_space<semaphore_mem>>)
      %mul3A_248 = arith.constant 80 : i32
      %mul3A_249 = arith.muli %add3A_235, %mul3A_248 : i32
      %dma_start3A_250 = arith.constant 1 : i32
      %dma_start3A_251 = arith.constant 0 : i32
      %dma_start3A_252 = arith.constant 0 : i32
      %dma_start3A_253 = tpu.memref_slice %arg9[%dma_start3A_250, %dma_start3A_251, %dma_start3A_252] : memref<2x80x128xf32, #tpu.memory_space<vmem>> -> memref<1x80x128xf32, #tpu.memory_space<vmem>>
      %dma_start3A_254 = tpu.memref_squeeze %dma_start3A_253 : memref<1x80x128xf32, #tpu.memory_space<vmem>> -> memref<80x128xf32, #tpu.memory_space<vmem>>
      %dma_start3A_255 = tpu.memref_slice %arg7[%mul3A_249] : memref<10000xi32, #tpu.memory_space<vmem>> -> memref<80xi32, #tpu.memory_space<vmem>>
      %dma_start3A_256 = arith.constant 0 : i32
      %dma_start3A_257 = arith.constant 0 : i32
      %dma_start3A_258 = tpu.memref_slice %arg2[%dma_start3A_256, %dma_start3A_257] : memref<10000x128xf32, #tpu.memory_space<hbm>> -> memref<10000x128xf32, #tpu.memory_space<hbm>>
      tpu.enqueue_indirect_dma source(%dma_start3A_258 : memref<10000x128xf32, #tpu.memory_space<hbm>>) target(%dma_start3A_254 : memref<80x128xf32, #tpu.memory_space<vmem>>) offsets(%dma_start3A_255 : memref<80xi32, #tpu.memory_space<vmem>>) semaphore(%arg11 : memref<!tpu.dma_semaphore, #tpu.memory_space<semaphore_mem>>)
    }
    %scan3A_50 = arith.constant 61 : i32
    %add3A_51 = arith.constant 9760 : i32
    %add3A_52 = arith.addi %mul3A_2, %add3A_51 : i32
    %dma_wait3A = arith.constant 0 : i32
    %dma_wait3A_53 = arith.constant 0 : i32
    %dma_wait3A_54 = tpu.memref_slice %arg8[%dma_wait3A, %dma_wait3A_53] : memref<2x80xi32, #tpu.memory_space<vmem>> -> memref<1x80xi32, #tpu.memory_space<vmem>>
    %dma_wait3A_55 = tpu.memref_squeeze %dma_wait3A_54 : memref<1x80xi32, #tpu.memory_space<vmem>> -> memref<80xi32, #tpu.memory_space<vmem>>
    %dma_wait3A_56 = tpu.memref_slice %arg4[%add3A_52] : memref<320000xi32, #tpu.memory_space<hbm>> -> memref<80xi32, #tpu.memory_space<hbm>>
    %dma_wait3A_57 = arith.constant 0 : i32
    %dma_wait3A_58 = tpu.memref_slice %arg8[%dma_wait3A, %dma_wait3A_57] : memref<2x80xi32, #tpu.memory_space<vmem>> -> memref<1x80xi32, #tpu.memory_space<vmem>>
    %dma_wait3A_59 = tpu.memref_squeeze %dma_wait3A_58 : memref<1x80xi32, #tpu.memory_space<vmem>> -> memref<80xi32, #tpu.memory_space<vmem>>
    %dma_wait3A_60 = tpu.memref_slice %arg4[%add3A_52] : memref<320000xi32, #tpu.memory_space<hbm>> -> memref<80xi32, #tpu.memory_space<hbm>>
    tpu.wait_dma2 semaphore(%arg10 : memref<!tpu.dma_semaphore, #tpu.memory_space<semaphore_mem>>) src(%dma_wait3A_60 : memref<80xi32, #tpu.memory_space<hbm>>) dst(%dma_wait3A_59 : memref<80xi32, #tpu.memory_space<vmem>>)
    %dma_wait3A_61 = arith.constant 0 : i32
    %dma_wait3A_62 = arith.constant 0 : i32
    %dma_wait3A_63 = arith.constant 0 : i32
    %dma_wait3A_64 = tpu.memref_slice %arg9[%dma_wait3A_61, %dma_wait3A_62, %dma_wait3A_63] : memref<2x80x128xf32, #tpu.memory_space<vmem>> -> memref<1x80x128xf32, #tpu.memory_space<vmem>>
    %dma_wait3A_65 = tpu.memref_squeeze %dma_wait3A_64 : memref<1x80x128xf32, #tpu.memory_space<vmem>> -> memref<80x128xf32, #tpu.memory_space<vmem>>
    %dma_wait3A_66 = arith.constant 9760 : i32
    %dma_wait3A_67 = tpu.memref_slice %arg7[%dma_wait3A_66] : memref<10000xi32, #tpu.memory_space<vmem>> -> memref<80xi32, #tpu.memory_space<vmem>>
    %dma_wait3A_68 = arith.constant 0 : i32
    %dma_wait3A_69 = arith.constant 0 : i32
    %dma_wait3A_70 = tpu.memref_slice %arg2[%dma_wait3A_68, %dma_wait3A_69] : memref<10000x128xf32, #tpu.memory_space<hbm>> -> memref<10000x128xf32, #tpu.memory_space<hbm>>
    tpu.wait_indirect_dma semaphore(%arg10 : memref<!tpu.dma_semaphore, #tpu.memory_space<semaphore_mem>>) src(%dma_wait3A_70 : memref<10000x128xf32, #tpu.memory_space<hbm>>) dst(%dma_wait3A_65 : memref<80x128xf32, #tpu.memory_space<vmem>>)
    %run_scoped3A = arith.constant 0 : i32
    %run_scoped3A_71 = arith.constant 0 : i32
    "tpu.region"() ({
      %run_scoped3A_144 = tpu.sem_alloc : memref<!tpu.dma_semaphore, #tpu.memory_space<semaphore_mem>>
      %dma_start3A_145 = arith.constant 0 : i32
      %dma_start3A_146 = arith.constant 0 : i32
      %dma_start3A_147 = tpu.memref_slice %arg9[%run_scoped3A, %dma_start3A_145, %dma_start3A_146] : memref<2x80x128xf32, #tpu.memory_space<vmem>> -> memref<1x80x128xf32, #tpu.memory_space<vmem>>
      %dma_start3A_148 = tpu.memref_squeeze %dma_start3A_147 : memref<1x80x128xf32, #tpu.memory_space<vmem>> -> memref<80x128xf32, #tpu.memory_space<vmem>>
      %dma_start3A_149 = arith.constant 0 : i32
      %dma_start3A_150 = tpu.memref_slice %arg8[%run_scoped3A_71, %dma_start3A_149] : memref<2x80xi32, #tpu.memory_space<vmem>> -> memref<1x80xi32, #tpu.memory_space<vmem>>
      %dma_start3A_151 = tpu.memref_squeeze %dma_start3A_150 : memref<1x80xi32, #tpu.memory_space<vmem>> -> memref<80xi32, #tpu.memory_space<vmem>>
      %dma_start3A_152 = arith.constant 0 : i32
      %dma_start3A_153 = arith.constant 0 : i32
      %dma_start3A_154 = tpu.memref_slice %arg12[%dma_start3A_152, %dma_start3A_153] : memref<10240x128xf32, #tpu.memory_space<vmem_shared>> -> memref<10240x128xf32, #tpu.memory_space<vmem_shared>>
      tpu.enqueue_indirect_dma source(%dma_start3A_148 : memref<80x128xf32, #tpu.memory_space<vmem>>) target(%dma_start3A_154 : memref<10240x128xf32, #tpu.memory_space<vmem_shared>>) offsets(%dma_start3A_151 : memref<80xi32, #tpu.memory_space<vmem>>) semaphore(%run_scoped3A_144 : memref<!tpu.dma_semaphore, #tpu.memory_space<semaphore_mem>>) {add = true}
      %dma_wait3A_155 = arith.constant 0 : i32
      %dma_wait3A_156 = arith.constant 0 : i32
      %dma_wait3A_157 = tpu.memref_slice %arg9[%run_scoped3A, %dma_wait3A_155, %dma_wait3A_156] : memref<2x80x128xf32, #tpu.memory_space<vmem>> -> memref<1x80x128xf32, #tpu.memory_space<vmem>>
      %dma_wait3A_158 = tpu.memref_squeeze %dma_wait3A_157 : memref<1x80x128xf32, #tpu.memory_space<vmem>> -> memref<80x128xf32, #tpu.memory_space<vmem>>
      %dma_wait3A_159 = arith.constant 0 : i32
      %dma_wait3A_160 = tpu.memref_slice %arg8[%run_scoped3A_71, %dma_wait3A_159] : memref<2x80xi32, #tpu.memory_space<vmem>> -> memref<1x80xi32, #tpu.memory_space<vmem>>
      %dma_wait3A_161 = tpu.memref_squeeze %dma_wait3A_160 : memref<1x80xi32, #tpu.memory_space<vmem>> -> memref<80xi32, #tpu.memory_space<vmem>>
      %dma_wait3A_162 = arith.constant 0 : i32
      %dma_wait3A_163 = arith.constant 0 : i32
      %dma_wait3A_164 = tpu.memref_slice %arg12[%dma_wait3A_162, %dma_wait3A_163] : memref<10240x128xf32, #tpu.memory_space<vmem_shared>> -> memref<10240x128xf32, #tpu.memory_space<vmem_shared>>
      tpu.wait_indirect_dma semaphore(%run_scoped3A_144 : memref<!tpu.dma_semaphore, #tpu.memory_space<semaphore_mem>>) src(%dma_wait3A_158 : memref<80x128xf32, #tpu.memory_space<vmem>>) dst(%dma_wait3A_164 : memref<10240x128xf32, #tpu.memory_space<vmem_shared>>)
      tpu.yield
    }) : () -> ()
    %add3A_72 = arith.constant 9920 : i32
    %add3A_73 = arith.addi %mul3A_2, %add3A_72 : i32
    %dma_start3A_74 = arith.constant 0 : i32
    %dma_start3A_75 = arith.constant 0 : i32
    %dma_start3A_76 = tpu.memref_slice %arg8[%dma_start3A_74, %dma_start3A_75] : memref<2x80xi32, #tpu.memory_space<vmem>> -> memref<1x80xi32, #tpu.memory_space<vmem>>
    %dma_start3A_77 = tpu.memref_squeeze %dma_start3A_76 : memref<1x80xi32, #tpu.memory_space<vmem>> -> memref<80xi32, #tpu.memory_space<vmem>>
    %dma_start3A_78 = tpu.memref_slice %arg4[%add3A_73] : memref<320000xi32, #tpu.memory_space<hbm>> -> memref<80xi32, #tpu.memory_space<hbm>>
    %dma_start3A_79 = arith.constant 0 : i32
    %dma_start3A_80 = tpu.memref_slice %arg8[%dma_start3A_74, %dma_start3A_79] : memref<2x80xi32, #tpu.memory_space<vmem>> -> memref<1x80xi32, #tpu.memory_space<vmem>>
    %dma_start3A_81 = tpu.memref_squeeze %dma_start3A_80 : memref<1x80xi32, #tpu.memory_space<vmem>> -> memref<80xi32, #tpu.memory_space<vmem>>
    %dma_start3A_82 = tpu.memref_slice %arg4[%add3A_73] : memref<320000xi32, #tpu.memory_space<hbm>> -> memref<80xi32, #tpu.memory_space<hbm>>
    tpu.enqueue_dma source(%dma_start3A_82 : memref<80xi32, #tpu.memory_space<hbm>>) target(%dma_start3A_81 : memref<80xi32, #tpu.memory_space<vmem>>) target_semaphore(%arg10 : memref<!tpu.dma_semaphore, #tpu.memory_space<semaphore_mem>>)
    %dma_start3A_83 = arith.constant 0 : i32
    %dma_start3A_84 = arith.constant 0 : i32
    %dma_start3A_85 = arith.constant 0 : i32
    %dma_start3A_86 = tpu.memref_slice %arg9[%dma_start3A_83, %dma_start3A_84, %dma_start3A_85] : memref<2x80x128xf32, #tpu.memory_space<vmem>> -> memref<1x80x128xf32, #tpu.memory_space<vmem>>
    %dma_start3A_87 = tpu.memref_squeeze %dma_start3A_86 : memref<1x80x128xf32, #tpu.memory_space<vmem>> -> memref<80x128xf32, #tpu.memory_space<vmem>>
    %dma_start3A_88 = arith.constant 9920 : i32
    %dma_start3A_89 = tpu.memref_slice %arg7[%dma_start3A_88] : memref<10000xi32, #tpu.memory_space<vmem>> -> memref<80xi32, #tpu.memory_space<vmem>>
    %dma_start3A_90 = arith.constant 0 : i32
    %dma_start3A_91 = arith.constant 0 : i32
    %dma_start3A_92 = tpu.memref_slice %arg2[%dma_start3A_90, %dma_start3A_91] : memref<10000x128xf32, #tpu.memory_space<hbm>> -> memref<10000x128xf32, #tpu.memory_space<hbm>>
    tpu.enqueue_indirect_dma source(%dma_start3A_92 : memref<10000x128xf32, #tpu.memory_space<hbm>>) target(%dma_start3A_87 : memref<80x128xf32, #tpu.memory_space<vmem>>) offsets(%dma_start3A_89 : memref<80xi32, #tpu.memory_space<vmem>>) semaphore(%arg10 : memref<!tpu.dma_semaphore, #tpu.memory_space<semaphore_mem>>)
    %add3A_93 = arith.constant 9840 : i32
    %add3A_94 = arith.addi %mul3A_2, %add3A_93 : i32
    %dma_wait3A_95 = arith.constant 1 : i32
    %dma_wait3A_96 = arith.constant 0 : i32
    %dma_wait3A_97 = tpu.memref_slice %arg8[%dma_wait3A_95, %dma_wait3A_96] : memref<2x80xi32, #tpu.memory_space<vmem>> -> memref<1x80xi32, #tpu.memory_space<vmem>>
    %dma_wait3A_98 = tpu.memref_squeeze %dma_wait3A_97 : memref<1x80xi32, #tpu.memory_space<vmem>> -> memref<80xi32, #tpu.memory_space<vmem>>
    %dma_wait3A_99 = tpu.memref_slice %arg4[%add3A_94] : memref<320000xi32, #tpu.memory_space<hbm>> -> memref<80xi32, #tpu.memory_space<hbm>>
    %dma_wait3A_100 = arith.constant 0 : i32
    %dma_wait3A_101 = tpu.memref_slice %arg8[%dma_wait3A_95, %dma_wait3A_100] : memref<2x80xi32, #tpu.memory_space<vmem>> -> memref<1x80xi32, #tpu.memory_space<vmem>>
    %dma_wait3A_102 = tpu.memref_squeeze %dma_wait3A_101 : memref<1x80xi32, #tpu.memory_space<vmem>> -> memref<80xi32, #tpu.memory_space<vmem>>
    %dma_wait3A_103 = tpu.memref_slice %arg4[%add3A_94] : memref<320000xi32, #tpu.memory_space<hbm>> -> memref<80xi32, #tpu.memory_space<hbm>>
    tpu.wait_dma2 semaphore(%arg11 : memref<!tpu.dma_semaphore, #tpu.memory_space<semaphore_mem>>) src(%dma_wait3A_103 : memref<80xi32, #tpu.memory_space<hbm>>) dst(%dma_wait3A_102 : memref<80xi32, #tpu.memory_space<vmem>>)
    %dma_wait3A_104 = arith.constant 1 : i32
    %dma_wait3A_105 = arith.constant 0 : i32
    %dma_wait3A_106 = arith.constant 0 : i32
    %dma_wait3A_107 = tpu.memref_slice %arg9[%dma_wait3A_104, %dma_wait3A_105, %dma_wait3A_106] : memref<2x80x128xf32, #tpu.memory_space<vmem>> -> memref<1x80x128xf32, #tpu.memory_space<vmem>>
    %dma_wait3A_108 = tpu.memref_squeeze %dma_wait3A_107 : memref<1x80x128xf32, #tpu.memory_space<vmem>> -> memref<80x128xf32, #tpu.memory_space<vmem>>
    %dma_wait3A_109 = arith.constant 9840 : i32
    %dma_wait3A_110 = tpu.memref_slice %arg7[%dma_wait3A_109] : memref<10000xi32, #tpu.memory_space<vmem>> -> memref<80xi32, #tpu.memory_space<vmem>>
    %dma_wait3A_111 = arith.constant 0 : i32
    %dma_wait3A_112 = arith.constant 0 : i32
    %dma_wait3A_113 = tpu.memref_slice %arg2[%dma_wait3A_111, %dma_wait3A_112] : memref<10000x128xf32, #tpu.memory_space<hbm>> -> memref<10000x128xf32, #tpu.memory_space<hbm>>
    tpu.wait_indirect_dma semaphore(%arg11 : memref<!tpu.dma_semaphore, #tpu.memory_space<semaphore_mem>>) src(%dma_wait3A_113 : memref<10000x128xf32, #tpu.memory_space<hbm>>) dst(%dma_wait3A_108 : memref<80x128xf32, #tpu.memory_space<vmem>>)
    %run_scoped3A_114 = arith.constant 1 : i32
    %run_scoped3A_115 = arith.constant 1 : i32
    "tpu.region"() ({
      %run_scoped3A_144 = tpu.sem_alloc : memref<!tpu.dma_semaphore, #tpu.memory_space<semaphore_mem>>
      %dma_start3A_145 = arith.constant 0 : i32
      %dma_start3A_146 = arith.constant 0 : i32
      %dma_start3A_147 = tpu.memref_slice %arg9[%run_scoped3A_114, %dma_start3A_145, %dma_start3A_146] : memref<2x80x128xf32, #tpu.memory_space<vmem>> -> memref<1x80x128xf32, #tpu.memory_space<vmem>>
      %dma_start3A_148 = tpu.memref_squeeze %dma_start3A_147 : memref<1x80x128xf32, #tpu.memory_space<vmem>> -> memref<80x128xf32, #tpu.memory_space<vmem>>
      %dma_start3A_149 = arith.constant 0 : i32
      %dma_start3A_150 = tpu.memref_slice %arg8[%run_scoped3A_115, %dma_start3A_149] : memref<2x80xi32, #tpu.memory_space<vmem>> -> memref<1x80xi32, #tpu.memory_space<vmem>>
      %dma_start3A_151 = tpu.memref_squeeze %dma_start3A_150 : memref<1x80xi32, #tpu.memory_space<vmem>> -> memref<80xi32, #tpu.memory_space<vmem>>
      %dma_start3A_152 = arith.constant 0 : i32
      %dma_start3A_153 = arith.constant 0 : i32
      %dma_start3A_154 = tpu.memref_slice %arg12[%dma_start3A_152, %dma_start3A_153] : memref<10240x128xf32, #tpu.memory_space<vmem_shared>> -> memref<10240x128xf32, #tpu.memory_space<vmem_shared>>
      tpu.enqueue_indirect_dma source(%dma_start3A_148 : memref<80x128xf32, #tpu.memory_space<vmem>>) target(%dma_start3A_154 : memref<10240x128xf32, #tpu.memory_space<vmem_shared>>) offsets(%dma_start3A_151 : memref<80xi32, #tpu.memory_space<vmem>>) semaphore(%run_scoped3A_144 : memref<!tpu.dma_semaphore, #tpu.memory_space<semaphore_mem>>) {add = true}
      %dma_wait3A_155 = arith.constant 0 : i32
      %dma_wait3A_156 = arith.constant 0 : i32
      %dma_wait3A_157 = tpu.memref_slice %arg9[%run_scoped3A_114, %dma_wait3A_155, %dma_wait3A_156] : memref<2x80x128xf32, #tpu.memory_space<vmem>> -> memref<1x80x128xf32, #tpu.memory_space<vmem>>
      %dma_wait3A_158 = tpu.memref_squeeze %dma_wait3A_157 : memref<1x80x128xf32, #tpu.memory_space<vmem>> -> memref<80x128xf32, #tpu.memory_space<vmem>>
      %dma_wait3A_159 = arith.constant 0 : i32
      %dma_wait3A_160 = tpu.memref_slice %arg8[%run_scoped3A_115, %dma_wait3A_159] : memref<2x80xi32, #tpu.memory_space<vmem>> -> memref<1x80xi32, #tpu.memory_space<vmem>>
      %dma_wait3A_161 = tpu.memref_squeeze %dma_wait3A_160 : memref<1x80xi32, #tpu.memory_space<vmem>> -> memref<80xi32, #tpu.memory_space<vmem>>
      %dma_wait3A_162 = arith.constant 0 : i32
      %dma_wait3A_163 = arith.constant 0 : i32
      %dma_wait3A_164 = tpu.memref_slice %arg12[%dma_wait3A_162, %dma_wait3A_163] : memref<10240x128xf32, #tpu.memory_space<vmem_shared>> -> memref<10240x128xf32, #tpu.memory_space<vmem_shared>>
      tpu.wait_indirect_dma semaphore(%run_scoped3A_144 : memref<!tpu.dma_semaphore, #tpu.memory_space<semaphore_mem>>) src(%dma_wait3A_158 : memref<80x128xf32, #tpu.memory_space<vmem>>) dst(%dma_wait3A_164 : memref<10240x128xf32, #tpu.memory_space<vmem_shared>>)
      tpu.yield
    }) : () -> ()
    %add3A_116 = arith.constant 9920 : i32
    %add3A_117 = arith.addi %mul3A_2, %add3A_116 : i32
    %dma_wait3A_118 = arith.constant 0 : i32
    %dma_wait3A_119 = arith.constant 0 : i32
    %dma_wait3A_120 = tpu.memref_slice %arg8[%dma_wait3A_118, %dma_wait3A_119] : memref<2x80xi32, #tpu.memory_space<vmem>> -> memref<1x80xi32, #tpu.memory_space<vmem>>
    %dma_wait3A_121 = tpu.memref_squeeze %dma_wait3A_120 : memref<1x80xi32, #tpu.memory_space<vmem>> -> memref<80xi32, #tpu.memory_space<vmem>>
    %dma_wait3A_122 = tpu.memref_slice %arg4[%add3A_117] : memref<320000xi32, #tpu.memory_space<hbm>> -> memref<80xi32, #tpu.memory_space<hbm>>
    %dma_wait3A_123 = arith.constant 0 : i32
    %dma_wait3A_124 = tpu.memref_slice %arg8[%dma_wait3A_118, %dma_wait3A_123] : memref<2x80xi32, #tpu.memory_space<vmem>> -> memref<1x80xi32, #tpu.memory_space<vmem>>
    %dma_wait3A_125 = tpu.memref_squeeze %dma_wait3A_124 : memref<1x80xi32, #tpu.memory_space<vmem>> -> memref<80xi32, #tpu.memory_space<vmem>>
    %dma_wait3A_126 = tpu.memref_slice %arg4[%add3A_117] : memref<320000xi32, #tpu.memory_space<hbm>> -> memref<80xi32, #tpu.memory_space<hbm>>
    tpu.wait_dma2 semaphore(%arg10 : memref<!tpu.dma_semaphore, #tpu.memory_space<semaphore_mem>>) src(%dma_wait3A_126 : memref<80xi32, #tpu.memory_space<hbm>>) dst(%dma_wait3A_125 : memref<80xi32, #tpu.memory_space<vmem>>)
    %dma_wait3A_127 = arith.constant 0 : i32
    %dma_wait3A_128 = arith.constant 0 : i32
    %dma_wait3A_129 = arith.constant 0 : i32
    %dma_wait3A_130 = tpu.memref_slice %arg9[%dma_wait3A_127, %dma_wait3A_128, %dma_wait3A_129] : memref<2x80x128xf32, #tpu.memory_space<vmem>> -> memref<1x80x128xf32, #tpu.memory_space<vmem>>
    %dma_wait3A_131 = tpu.memref_squeeze %dma_wait3A_130 : memref<1x80x128xf32, #tpu.memory_space<vmem>> -> memref<80x128xf32, #tpu.memory_space<vmem>>
    %dma_wait3A_132 = arith.constant 9920 : i32
    %dma_wait3A_133 = tpu.memref_slice %arg7[%dma_wait3A_132] : memref<10000xi32, #tpu.memory_space<vmem>> -> memref<80xi32, #tpu.memory_space<vmem>>
    %dma_wait3A_134 = arith.constant 0 : i32
    %dma_wait3A_135 = arith.constant 0 : i32
    %dma_wait3A_136 = tpu.memref_slice %arg2[%dma_wait3A_134, %dma_wait3A_135] : memref<10000x128xf32, #tpu.memory_space<hbm>> -> memref<10000x128xf32, #tpu.memory_space<hbm>>
    tpu.wait_indirect_dma semaphore(%arg10 : memref<!tpu.dma_semaphore, #tpu.memory_space<semaphore_mem>>) src(%dma_wait3A_136 : memref<10000x128xf32, #tpu.memory_space<hbm>>) dst(%dma_wait3A_131 : memref<80x128xf32, #tpu.memory_space<vmem>>)
    %run_scoped3A_137 = arith.constant 0 : i32
    %run_scoped3A_138 = arith.constant 0 : i32
    "tpu.region"() ({
      %run_scoped3A_144 = tpu.sem_alloc : memref<!tpu.dma_semaphore, #tpu.memory_space<semaphore_mem>>
      %dma_start3A_145 = arith.constant 0 : i32
      %dma_start3A_146 = arith.constant 0 : i32
      %dma_start3A_147 = tpu.memref_slice %arg9[%run_scoped3A_137, %dma_start3A_145, %dma_start3A_146] : memref<2x80x128xf32, #tpu.memory_space<vmem>> -> memref<1x80x128xf32, #tpu.memory_space<vmem>>
      %dma_start3A_148 = tpu.memref_squeeze %dma_start3A_147 : memref<1x80x128xf32, #tpu.memory_space<vmem>> -> memref<80x128xf32, #tpu.memory_space<vmem>>
      %dma_start3A_149 = arith.constant 0 : i32
      %dma_start3A_150 = tpu.memref_slice %arg8[%run_scoped3A_138, %dma_start3A_149] : memref<2x80xi32, #tpu.memory_space<vmem>> -> memref<1x80xi32, #tpu.memory_space<vmem>>
      %dma_start3A_151 = tpu.memref_squeeze %dma_start3A_150 : memref<1x80xi32, #tpu.memory_space<vmem>> -> memref<80xi32, #tpu.memory_space<vmem>>
      %dma_start3A_152 = arith.constant 0 : i32
      %dma_start3A_153 = arith.constant 0 : i32
      %dma_start3A_154 = tpu.memref_slice %arg12[%dma_start3A_152, %dma_start3A_153] : memref<10240x128xf32, #tpu.memory_space<vmem_shared>> -> memref<10240x128xf32, #tpu.memory_space<vmem_shared>>
      tpu.enqueue_indirect_dma source(%dma_start3A_148 : memref<80x128xf32, #tpu.memory_space<vmem>>) target(%dma_start3A_154 : memref<10240x128xf32, #tpu.memory_space<vmem_shared>>) offsets(%dma_start3A_151 : memref<80xi32, #tpu.memory_space<vmem>>) semaphore(%run_scoped3A_144 : memref<!tpu.dma_semaphore, #tpu.memory_space<semaphore_mem>>) {add = true}
      %dma_wait3A_155 = arith.constant 0 : i32
      %dma_wait3A_156 = arith.constant 0 : i32
      %dma_wait3A_157 = tpu.memref_slice %arg9[%run_scoped3A_137, %dma_wait3A_155, %dma_wait3A_156] : memref<2x80x128xf32, #tpu.memory_space<vmem>> -> memref<1x80x128xf32, #tpu.memory_space<vmem>>
      %dma_wait3A_158 = tpu.memref_squeeze %dma_wait3A_157 : memref<1x80x128xf32, #tpu.memory_space<vmem>> -> memref<80x128xf32, #tpu.memory_space<vmem>>
      %dma_wait3A_159 = arith.constant 0 : i32
      %dma_wait3A_160 = tpu.memref_slice %arg8[%run_scoped3A_138, %dma_wait3A_159] : memref<2x80xi32, #tpu.memory_space<vmem>> -> memref<1x80xi32, #tpu.memory_space<vmem>>
      %dma_wait3A_161 = tpu.memref_squeeze %dma_wait3A_160 : memref<1x80xi32, #tpu.memory_space<vmem>> -> memref<80xi32, #tpu.memory_space<vmem>>
      %dma_wait3A_162 = arith.constant 0 : i32
      %dma_wait3A_163 = arith.constant 0 : i32
      %dma_wait3A_164 = tpu.memref_slice %arg12[%dma_wait3A_162, %dma_wait3A_163] : memref<10240x128xf32, #tpu.memory_space<vmem_shared>> -> memref<10240x128xf32, #tpu.memory_space<vmem_shared>>
      tpu.wait_indirect_dma semaphore(%run_scoped3A_144 : memref<!tpu.dma_semaphore, #tpu.memory_space<semaphore_mem>>) src(%dma_wait3A_158 : memref<80x128xf32, #tpu.memory_space<vmem>>) dst(%dma_wait3A_164 : memref<10240x128xf32, #tpu.memory_space<vmem_shared>>)
      tpu.yield
    }) : () -> ()
    %barrier3A_139 = arith.constant 0 : index
    tpu.barrier barrier_id(%barrier3A_139)
    %mul3A_140 = arith.constant 640 : i32
    %mul3A_141 = arith.muli %arg1, %mul3A_140 : i32
    %mul3A_142 = arith.constant 640 : i32
    %mul3A_143 = arith.muli %arg1, %mul3A_142 : i32
    "tpu.region"() ({
      %run_scoped3A_144 = tpu.sem_alloc : memref<!tpu.dma_semaphore, #tpu.memory_space<semaphore_mem>>
      %dma_start3A_145 = arith.constant 0 : i32
      %dma_start3A_146 = tpu.memref_slice %arg6[%arg0, %mul3A_143, %dma_start3A_145] : memref<2x10240x128xf32, #tpu.memory_space<hbm>> -> memref<1x640x128xf32, #tpu.memory_space<hbm>>
      %dma_start3A_147 = tpu.memref_squeeze %dma_start3A_146 : memref<1x640x128xf32, #tpu.memory_space<hbm>> -> memref<640x128xf32, #tpu.memory_space<hbm>>
      %dma_start3A_148 = arith.constant 0 : i32
      %dma_start3A_149 = tpu.memref_slice %arg12[%mul3A_141, %dma_start3A_148] : memref<10240x128xf32, #tpu.memory_space<vmem_shared>> -> memref<640x128xf32, #tpu.memory_space<vmem_shared>>
      tpu.enqueue_dma source(%dma_start3A_149 : memref<640x128xf32, #tpu.memory_space<vmem_shared>>) target(%dma_start3A_147 : memref<640x128xf32, #tpu.memory_space<hbm>>) target_semaphore(%run_scoped3A_144 : memref<!tpu.dma_semaphore, #tpu.memory_space<semaphore_mem>>)
      %dma_wait3A_150 = arith.constant 0 : i32
      %dma_wait3A_151 = tpu.memref_slice %arg6[%arg0, %mul3A_143, %dma_wait3A_150] : memref<2x10240x128xf32, #tpu.memory_space<hbm>> -> memref<1x640x128xf32, #tpu.memory_space<hbm>>
      %dma_wait3A_152 = tpu.memref_squeeze %dma_wait3A_151 : memref<1x640x128xf32, #tpu.memory_space<hbm>> -> memref<640x128xf32, #tpu.memory_space<hbm>>
      %dma_wait3A_153 = arith.constant 0 : i32
      %dma_wait3A_154 = tpu.memref_slice %arg12[%mul3A_141, %dma_wait3A_153] : memref<10240x128xf32, #tpu.memory_space<vmem_shared>> -> memref<640x128xf32, #tpu.memory_space<vmem_shared>>
      tpu.wait_dma2 semaphore(%run_scoped3A_144 : memref<!tpu.dma_semaphore, #tpu.memory_space<semaphore_mem>>) src(%dma_wait3A_154 : memref<640x128xf32, #tpu.memory_space<vmem_shared>>) dst(%dma_wait3A_152 : memref<640x128xf32, #tpu.memory_space<hbm>>)
      tpu.yield
    }) : () -> ()
    return
  }
}

module attributes {stable_mosaic.version = 14 : i64} {
  func.func @_tc_h1_body(%arg0: i32, %arg1: memref<2000x128xf32, #tpu.memory_space<vmem>>, %arg2: memref<128x128xf32, #tpu.memory_space<vmem>>, %arg3: memref<2000x128xf32, #tpu.memory_space<vmem>>) attributes {dimension_semantics = [#tpu.dimension_semantics<arbitrary>], iteration_bounds = array<i64: 5>, scalar_prefetch = 0 : i64, scratch_operands = 0 : i64, tpu.core_type = #tpu.core_type<tc>, window_params = [{transform_indices = @transform_0, window_bounds = array<i64: 2000, 128>}, {pipeline_mode = #tpu.pipeline_mode<synchronous>, transform_indices = @transform_1, window_bounds = array<i64: 128, 128>}, {transform_indices = @transform_2, window_bounds = array<i64: 2000, 128>}]} {
    %get3A = arith.constant 0 : index
    %get3A_0 = arith.constant 0 : index
    %get3A_1 = vector.load %arg1[%get3A, %get3A_0] : memref<2000x128xf32, #tpu.memory_space<vmem>>, vector<2000x128xf32>
    %get3A_2 = arith.constant 0 : index
    %get3A_3 = arith.constant 0 : index
    %get3A_4 = vector.load %arg2[%get3A_2, %get3A_3] : memref<128x128xf32, #tpu.memory_space<vmem>>, vector<128x128xf32>
    %dot_general3A = arith.constant dense<0.000000e+00> : vector<2000x128xf32>
    %dot_general3A_5 = tpu.matmul %get3A_1, %get3A_4, %dot_general3A {dimension_numbers = #tpu.dot_dimension_numbers<[1], [0], [0], [1], [0, 0, 1, 1], [], []>, transpose_lhs_hint = false} : vector<2000x128xf32>, vector<128x128xf32>, vector<2000x128xf32> -> vector<2000x128xf32>
    %swap3A = arith.constant 0 : index
    %swap3A_6 = arith.constant 0 : index
    %swap3A_7 = vector.load %arg3[%swap3A, %swap3A_6] : memref<2000x128xf32, #tpu.memory_space<vmem>>, vector<2000x128xf32>
    tpu.vector_store %arg3[%swap3A, %swap3A_6], %dot_general3A_5 {strides = array<i32>} : memref<2000x128xf32, #tpu.memory_space<vmem>>, vector<2000x128xf32>,
    return
  }
  func.func @transform_0(%arg0: i32) -> (i32, i32) {
    %c0_i32 = arith.constant 0 : i32
    %c0_i32_0 = arith.constant 0 : i32
    return %arg0, %c0_i32 : i32, i32
  }
  func.func @transform_1(%arg0: i32) -> (i32, i32) {
    %c0_i32 = arith.constant 0 : i32
    %c0_i32_0 = arith.constant 0 : i32
    %c0_i32_1 = arith.constant 0 : i32
    return %c0_i32, %c0_i32_0 : i32, i32
  }
  func.func @transform_2(%arg0: i32) -> (i32, i32) {
    %c0_i32 = arith.constant 0 : i32
    %c0_i32_0 = arith.constant 0 : i32
    return %arg0, %c0_i32 : i32, i32
  }
}

module attributes {stable_mosaic.version = 14 : i64} {
  func.func @_tc_scale_body(%arg0: i32, %arg1: memref<2000x1xf32, #tpu.memory_space<vmem>>, %arg2: memref<2000x128xf32, #tpu.memory_space<vmem>>, %arg3: memref<2000x128xf32, #tpu.memory_space<vmem>>, %arg4: memref<2000x1xf32, #tpu.memory_space<vmem>>) attributes {dimension_semantics = [#tpu.dimension_semantics<arbitrary>], iteration_bounds = array<i64: 5>, scalar_prefetch = 0 : i64, scratch_operands = 0 : i64, tpu.core_type = #tpu.core_type<tc>, window_params = [{transform_indices = @transform_0, window_bounds = array<i64: 2000, 1>}, {transform_indices = @transform_1, window_bounds = array<i64: 2000, 128>}, {transform_indices = @transform_2, window_bounds = array<i64: 2000, 128>}, {transform_indices = @transform_3, window_bounds = array<i64: 2000, 1>}]} {
    %get3A = arith.constant 0 : index
    %get3A_0 = arith.constant 0 : index
    %get3A_1 = vector.load %arg1[%get3A, %get3A_0] : memref<2000x1xf32, #tpu.memory_space<vmem>>, vector<2000x1xf32>
    %add3A = arith.constant 1.000000e+00 : f32
    %add3A_2 = vector.broadcast %add3A : f32 to vector<2000x1xf32>
    %add3A_3 = arith.addf %get3A_1, %add3A_2 : vector<2000x1xf32>
    %rsqrt3A = math.rsqrt %add3A_3 : vector<2000x1xf32>
    %swap3A = arith.constant 0 : index
    %swap3A_4 = arith.constant 0 : index
    %swap3A_5 = vector.load %arg4[%swap3A, %swap3A_4] : memref<2000x1xf32, #tpu.memory_space<vmem>>, vector<2000x1xf32>
    tpu.vector_store %arg4[%swap3A, %swap3A_4], %rsqrt3A {strides = array<i32>} : memref<2000x1xf32, #tpu.memory_space<vmem>>, vector<2000x1xf32>,
    %get3A_6 = arith.constant 0 : index
    %get3A_7 = arith.constant 0 : index
    %get3A_8 = vector.load %arg2[%get3A_6, %get3A_7] : memref<2000x128xf32, #tpu.memory_space<vmem>>, vector<2000x128xf32>
    %mul3A = vector.broadcast %rsqrt3A : vector<2000x1xf32> to vector<2000x128xf32>
    %mul3A_9 = arith.mulf %mul3A, %get3A_8 : vector<2000x128xf32>
    %swap3A_10 = arith.constant 0 : index
    %swap3A_11 = arith.constant 0 : index
    %swap3A_12 = vector.load %arg3[%swap3A_10, %swap3A_11] : memref<2000x128xf32, #tpu.memory_space<vmem>>, vector<2000x128xf32>
    tpu.vector_store %arg3[%swap3A_10, %swap3A_11], %mul3A_9 {strides = array<i32>} : memref<2000x128xf32, #tpu.memory_space<vmem>>, vector<2000x128xf32>,
    return
  }
  func.func @transform_0(%arg0: i32) -> (i32, i32) {
    %c0_i32 = arith.constant 0 : i32
    %c0_i32_0 = arith.constant 0 : i32
    return %arg0, %c0_i32 : i32, i32
  }
  func.func @transform_1(%arg0: i32) -> (i32, i32) {
    %c0_i32 = arith.constant 0 : i32
    %c0_i32_0 = arith.constant 0 : i32
    return %arg0, %c0_i32 : i32, i32
  }
  func.func @transform_2(%arg0: i32) -> (i32, i32) {
    %c0_i32 = arith.constant 0 : i32
    %c0_i32_0 = arith.constant 0 : i32
    return %arg0, %c0_i32 : i32, i32
  }
  func.func @transform_3(%arg0: i32) -> (i32, i32) {
    %c0_i32 = arith.constant 0 : i32
    %c0_i32_0 = arith.constant 0 : i32
    return %arg0, %c0_i32 : i32, i32
  }
}

module attributes {stable_mosaic.version = 14 : i64} {
  func.func @_tc_mid_body(%arg0: i32, %arg1: memref<2x2000x128xf32, #tpu.memory_space<vmem>>, %arg2: memref<2000x128xf32, #tpu.memory_space<vmem>>, %arg3: memref<2000x1xf32, #tpu.memory_space<vmem>>, %arg4: memref<1x128xf32, #tpu.memory_space<vmem>>, %arg5: memref<128x128xf32, #tpu.memory_space<vmem>>, %arg6: memref<2000x128xf32, #tpu.memory_space<vmem>>) attributes {dimension_semantics = [#tpu.dimension_semantics<arbitrary>], iteration_bounds = array<i64: 5>, scalar_prefetch = 0 : i64, scratch_operands = 0 : i64, tpu.core_type = #tpu.core_type<tc>, window_params = [{transform_indices = @transform_0, window_bounds = array<i64: 2, 2000, 128>}, {transform_indices = @transform_1, window_bounds = array<i64: 2000, 128>}, {transform_indices = @transform_2, window_bounds = array<i64: 2000, 1>}, {pipeline_mode = #tpu.pipeline_mode<synchronous>, transform_indices = @transform_3, window_bounds = array<i64: 1, 128>}, {pipeline_mode = #tpu.pipeline_mode<synchronous>, transform_indices = @transform_4, window_bounds = array<i64: 128, 128>}, {transform_indices = @transform_5, window_bounds = array<i64: 2000, 128>}]} {
    %get3A = arith.constant 0 : index
    %get3A_0 = arith.constant 0 : index
    %get3A_1 = vector.load %arg3[%get3A, %get3A_0] : memref<2000x1xf32, #tpu.memory_space<vmem>>, vector<2000x1xf32>
    %get3A_2 = arith.constant 0 : index
    %get3A_3 = arith.constant 0 : index
    %get3A_4 = arith.constant 0 : index
    %get3A_5 = vector.load %arg1[%get3A_2, %get3A_3, %get3A_4] : memref<2x2000x128xf32, #tpu.memory_space<vmem>>, vector<1x2000x128xf32>
    %get3A_6 = vector.shape_cast %get3A_5 : vector<1x2000x128xf32> to vector<2000x128xf32>
    %get3A_7 = arith.constant 1 : index
    %get3A_8 = arith.constant 0 : index
    %get3A_9 = arith.constant 0 : index
    %get3A_10 = vector.load %arg1[%get3A_7, %get3A_8, %get3A_9] : memref<2x2000x128xf32, #tpu.memory_space<vmem>>, vector<1x2000x128xf32>
    %get3A_11 = vector.shape_cast %get3A_10 : vector<1x2000x128xf32> to vector<2000x128xf32>
    %add3A = arith.addf %get3A_6, %get3A_11 : vector<2000x128xf32>
    %get3A_12 = arith.constant 0 : index
    %get3A_13 = arith.constant 0 : index
    %get3A_14 = vector.load %arg2[%get3A_12, %get3A_13] : memref<2000x128xf32, #tpu.memory_space<vmem>>, vector<2000x128xf32>
    %add3A_15 = arith.addf %add3A, %get3A_14 : vector<2000x128xf32>
    %mul3A = vector.broadcast %get3A_1 : vector<2000x1xf32> to vector<2000x128xf32>
    %mul3A_16 = arith.mulf %mul3A, %add3A_15 : vector<2000x128xf32>
    %get3A_17 = arith.constant 0 : index
    %get3A_18 = arith.constant 0 : index
    %get3A_19 = vector.load %arg4[%get3A_17, %get3A_18] : memref<1x128xf32, #tpu.memory_space<vmem>>, vector<1x128xf32>
    %add3A_20 = vector.broadcast %get3A_19 : vector<1x128xf32> to vector<2000x128xf32>
    %add3A_21 = arith.addf %mul3A_16, %add3A_20 : vector<2000x128xf32>
    %gt3A = arith.constant 0.000000e+00 : f32
    %gt3A_22 = vector.broadcast %gt3A : f32 to vector<2000x128xf32>
    %gt3A_23 = arith.cmpf ogt, %add3A_21, %gt3A_22 : vector<2000x128xf32>
    %exp3A = math.exp %add3A_21 : vector<2000x128xf32>
    %sub3A = arith.constant 1.000000e+00 : f32
    %sub3A_24 = vector.broadcast %sub3A : f32 to vector<2000x128xf32>
    %sub3A_25 = arith.subf %exp3A, %sub3A_24 : vector<2000x128xf32>
    %mul3A_26 = arith.constant 1.67326319 : f32
    %mul3A_27 = vector.broadcast %mul3A_26 : f32 to vector<2000x128xf32>
    %mul3A_28 = arith.mulf %mul3A_27, %sub3A_25 : vector<2000x128xf32>
    %select_n3A = arith.select %gt3A_23, %add3A_21, %mul3A_28 : vector<2000x128xi1>, vector<2000x128xf32>
    %mul3A_29 = arith.constant 1.05070102 : f32
    %mul3A_30 = vector.broadcast %mul3A_29 : f32 to vector<2000x128xf32>
    %mul3A_31 = arith.mulf %mul3A_30, %select_n3A : vector<2000x128xf32>
    %get3A_32 = arith.constant 0 : index
    %get3A_33 = arith.constant 0 : index
    %get3A_34 = vector.load %arg5[%get3A_32, %get3A_33] : memref<128x128xf32, #tpu.memory_space<vmem>>, vector<128x128xf32>
    %dot_general3A = arith.constant dense<0.000000e+00> : vector<2000x128xf32>
    %dot_general3A_35 = tpu.matmul %mul3A_31, %get3A_34, %dot_general3A {dimension_numbers = #tpu.dot_dimension_numbers<[1], [0], [0], [1], [0, 0, 1, 1], [], []>, transpose_lhs_hint = false} : vector<2000x128xf32>, vector<128x128xf32>, vector<2000x128xf32> -> vector<2000x128xf32>
    %mul3A_36 = vector.broadcast %get3A_1 : vector<2000x1xf32> to vector<2000x128xf32>
    %mul3A_37 = arith.mulf %mul3A_36, %dot_general3A_35 : vector<2000x128xf32>
    %swap3A = arith.constant 0 : index
    %swap3A_38 = arith.constant 0 : index
    %swap3A_39 = vector.load %arg6[%swap3A, %swap3A_38] : memref<2000x128xf32, #tpu.memory_space<vmem>>, vector<2000x128xf32>
    tpu.vector_store %arg6[%swap3A, %swap3A_38], %mul3A_37 {strides = array<i32>} : memref<2000x128xf32, #tpu.memory_space<vmem>>, vector<2000x128xf32>,
    return
  }
  func.func @transform_0(%arg0: i32) -> (i32, i32, i32) {
    %c0_i32 = arith.constant 0 : i32
    %c0_i32_0 = arith.constant 0 : i32
    %c0_i32_1 = arith.constant 0 : i32
    return %c0_i32, %arg0, %c0_i32_0 : i32, i32, i32
  }
  func.func @transform_1(%arg0: i32) -> (i32, i32) {
    %c0_i32 = arith.constant 0 : i32
    %c0_i32_0 = arith.constant 0 : i32
    return %arg0, %c0_i32 : i32, i32
  }
  func.func @transform_2(%arg0: i32) -> (i32, i32) {
    %c0_i32 = arith.constant 0 : i32
    %c0_i32_0 = arith.constant 0 : i32
    return %arg0, %c0_i32 : i32, i32
  }
  func.func @transform_3(%arg0: i32) -> (i32, i32) {
    %c0_i32 = arith.constant 0 : i32
    %c0_i32_0 = arith.constant 0 : i32
    %c0_i32_1 = arith.constant 0 : i32
    return %c0_i32, %c0_i32_0 : i32, i32
  }
  func.func @transform_4(%arg0: i32) -> (i32, i32) {
    %c0_i32 = arith.constant 0 : i32
    %c0_i32_0 = arith.constant 0 : i32
    %c0_i32_1 = arith.constant 0 : i32
    return %c0_i32, %c0_i32_0 : i32, i32
  }
  func.func @transform_5(%arg0: i32) -> (i32, i32) {
    %c0_i32 = arith.constant 0 : i32
    %c0_i32_0 = arith.constant 0 : i32
    return %arg0, %c0_i32 : i32, i32
  }
}

module attributes {stable_mosaic.version = 14 : i64} {
  func.func @_tc_final_body(%arg0: i32, %arg1: memref<2x2000x128xf32, #tpu.memory_space<vmem>>, %arg2: memref<2000x128xf32, #tpu.memory_space<vmem>>, %arg3: memref<2000x1xf32, #tpu.memory_space<vmem>>, %arg4: memref<1x128xf32, #tpu.memory_space<vmem>>, %arg5: memref<2000x1xi32, #tpu.memory_space<vmem>>, %arg6: memref<128x64xf32, #tpu.memory_space<vmem>>, %arg7: memref<1x64xf32, #tpu.memory_space<vmem>>, %arg8: memref<64x64xf32, #tpu.memory_space<vmem>>, %arg9: memref<64x128xf32, #tpu.memory_space<vmem>>, %arg10: memref<64x1xf32, #tpu.memory_space<vmem>>) attributes {dimension_semantics = [#tpu.dimension_semantics<arbitrary>], iteration_bounds = array<i64: 5>, scalar_prefetch = 0 : i64, scratch_operands = 2 : i64, tpu.core_type = #tpu.core_type<tc>, window_params = [{transform_indices = @transform_0, window_bounds = array<i64: 2, 2000, 128>}, {transform_indices = @transform_1, window_bounds = array<i64: 2000, 128>}, {transform_indices = @transform_2, window_bounds = array<i64: 2000, 1>}, {pipeline_mode = #tpu.pipeline_mode<synchronous>, transform_indices = @transform_3, window_bounds = array<i64: 1, 128>}, {transform_indices = @transform_4, window_bounds = array<i64: 2000, 1>}, {pipeline_mode = #tpu.pipeline_mode<synchronous>, transform_indices = @transform_5, window_bounds = array<i64: 128, 64>}, {pipeline_mode = #tpu.pipeline_mode<synchronous>, transform_indices = @transform_6, window_bounds = array<i64: 1, 64>}, {pipeline_mode = #tpu.pipeline_mode<synchronous>, transform_indices = @transform_7, window_bounds = array<i64: 64, 64>}]} {
    %eq3A = arith.constant 0 : i32
    %eq3A_0 = arith.cmpi eq, %arg0, %eq3A : i32
    %convert_element_type3A = arith.extui %eq3A_0 : i1 to i32
    %cond3A = arith.constant 0 : i32
    %cond3A_1 = arith.cmpi ne, %convert_element_type3A, %cond3A : i32
    scf.if %cond3A_1 {
      %broadcast_in_dim3A_64 = arith.constant 0.000000e+00 : f32
      %broadcast_in_dim3A_65 = vector.broadcast %broadcast_in_dim3A_64 : f32 to vector<64x128xf32>
      %swap3A_66 = arith.constant 0 : index
      %swap3A_67 = arith.constant 0 : index
      %swap3A_68 = vector.load %arg9[%swap3A_66, %swap3A_67] : memref<64x128xf32, #tpu.memory_space<vmem>>, vector<64x128xf32>
      tpu.vector_store %arg9[%swap3A_66, %swap3A_67], %broadcast_in_dim3A_65 {strides = array<i32>} : memref<64x128xf32, #tpu.memory_space<vmem>>, vector<64x128xf32>,
      %broadcast_in_dim3A_69 = arith.constant 0.000000e+00 : f32
      %broadcast_in_dim3A_70 = vector.broadcast %broadcast_in_dim3A_69 : f32 to vector<64x1xf32>
      %swap3A_71 = arith.constant 0 : index
      %swap3A_72 = arith.constant 0 : index
      %swap3A_73 = vector.load %arg10[%swap3A_71, %swap3A_72] : memref<64x1xf32, #tpu.memory_space<vmem>>, vector<64x1xf32>
      tpu.vector_store %arg10[%swap3A_71, %swap3A_72], %broadcast_in_dim3A_70 {strides = array<i32>} : memref<64x1xf32, #tpu.memory_space<vmem>>, vector<64x1xf32>,
    } else {
    }
    %get3A = arith.constant 0 : index
    %get3A_2 = arith.constant 0 : index
    %get3A_3 = vector.load %arg3[%get3A, %get3A_2] : memref<2000x1xf32, #tpu.memory_space<vmem>>, vector<2000x1xf32>
    %get3A_4 = arith.constant 0 : index
    %get3A_5 = arith.constant 0 : index
    %get3A_6 = arith.constant 0 : index
    %get3A_7 = vector.load %arg1[%get3A_4, %get3A_5, %get3A_6] : memref<2x2000x128xf32, #tpu.memory_space<vmem>>, vector<1x2000x128xf32>
    %get3A_8 = vector.shape_cast %get3A_7 : vector<1x2000x128xf32> to vector<2000x128xf32>
    %get3A_9 = arith.constant 1 : index
    %get3A_10 = arith.constant 0 : index
    %get3A_11 = arith.constant 0 : index
    %get3A_12 = vector.load %arg1[%get3A_9, %get3A_10, %get3A_11] : memref<2x2000x128xf32, #tpu.memory_space<vmem>>, vector<1x2000x128xf32>
    %get3A_13 = vector.shape_cast %get3A_12 : vector<1x2000x128xf32> to vector<2000x128xf32>
    %add3A = arith.addf %get3A_8, %get3A_13 : vector<2000x128xf32>
    %get3A_14 = arith.constant 0 : index
    %get3A_15 = arith.constant 0 : index
    %get3A_16 = vector.load %arg2[%get3A_14, %get3A_15] : memref<2000x128xf32, #tpu.memory_space<vmem>>, vector<2000x128xf32>
    %add3A_17 = arith.addf %add3A, %get3A_16 : vector<2000x128xf32>
    %mul3A = vector.broadcast %get3A_3 : vector<2000x1xf32> to vector<2000x128xf32>
    %mul3A_18 = arith.mulf %mul3A, %add3A_17 : vector<2000x128xf32>
    %get3A_19 = arith.constant 0 : index
    %get3A_20 = arith.constant 0 : index
    %get3A_21 = vector.load %arg4[%get3A_19, %get3A_20] : memref<1x128xf32, #tpu.memory_space<vmem>>, vector<1x128xf32>
    %add3A_22 = vector.broadcast %get3A_21 : vector<1x128xf32> to vector<2000x128xf32>
    %add3A_23 = arith.addf %mul3A_18, %add3A_22 : vector<2000x128xf32>
    %gt3A = arith.constant 0.000000e+00 : f32
    %gt3A_24 = vector.broadcast %gt3A : f32 to vector<2000x128xf32>
    %gt3A_25 = arith.cmpf ogt, %add3A_23, %gt3A_24 : vector<2000x128xf32>
    %exp3A = math.exp %add3A_23 : vector<2000x128xf32>
    %sub3A = arith.constant 1.000000e+00 : f32
    %sub3A_26 = vector.broadcast %sub3A : f32 to vector<2000x128xf32>
    %sub3A_27 = arith.subf %exp3A, %sub3A_26 : vector<2000x128xf32>
    %mul3A_28 = arith.constant 1.67326319 : f32
    %mul3A_29 = vector.broadcast %mul3A_28 : f32 to vector<2000x128xf32>
    %mul3A_30 = arith.mulf %mul3A_29, %sub3A_27 : vector<2000x128xf32>
    %select_n3A = arith.select %gt3A_25, %add3A_23, %mul3A_30 : vector<2000x128xi1>, vector<2000x128xf32>
    %mul3A_31 = arith.constant 1.05070102 : f32
    %mul3A_32 = vector.broadcast %mul3A_31 : f32 to vector<2000x128xf32>
    %mul3A_33 = arith.mulf %mul3A_32, %select_n3A : vector<2000x128xf32>
    %get3A_34 = arith.constant 0 : index
    %get3A_35 = arith.constant 0 : index
    %get3A_36 = vector.load %arg5[%get3A_34, %get3A_35] : memref<2000x1xi32, #tpu.memory_space<vmem>>, vector<2000x1xi32>
    %iota3A = tpu.iota {dimensions = array<i32: 1>} : vector<1x64xi32>
    %eq3A_37 = vector.broadcast %get3A_36 : vector<2000x1xi32> to vector<2000x64xi32>
    %eq3A_38 = vector.broadcast %iota3A : vector<1x64xi32> to vector<2000x64xi32>
    %eq3A_39 = arith.cmpi eq, %eq3A_37, %eq3A_38 : vector<2000x64xi32>
    %convert_element_type3A_40 = arith.extui %eq3A_39 : vector<2000x64xi1> to vector<2000x64xi32>
    %convert_element_type3A_41 = arith.sitofp %convert_element_type3A_40 : vector<2000x64xi32> to vector<2000x64xf32>
    %get3A_42 = arith.constant 0 : index
    %get3A_43 = arith.constant 0 : index
    %get3A_44 = vector.load %arg9[%get3A_42, %get3A_43] : memref<64x128xf32, #tpu.memory_space<vmem>>, vector<64x128xf32>
    %dot_general3A = arith.constant dense<0.000000e+00> : vector<64x128xf32>
    %dot_general3A_45 = tpu.matmul %convert_element_type3A_41, %mul3A_33, %dot_general3A {dimension_numbers = #tpu.dot_dimension_numbers<[0], [0], [1], [1], [0, 1, 1, 1], [], []>, transpose_lhs_hint = false} : vector<2000x64xf32>, vector<2000x128xf32>, vector<64x128xf32> -> vector<64x128xf32>
    %add3A_46 = arith.addf %get3A_44, %dot_general3A_45 : vector<64x128xf32>
    %swap3A = arith.constant 0 : index
    %swap3A_47 = arith.constant 0 : index
    %swap3A_48 = vector.load %arg9[%swap3A, %swap3A_47] : memref<64x128xf32, #tpu.memory_space<vmem>>, vector<64x128xf32>
    tpu.vector_store %arg9[%swap3A, %swap3A_47], %add3A_46 {strides = array<i32>} : memref<64x128xf32, #tpu.memory_space<vmem>>, vector<64x128xf32>,
    %get3A_49 = arith.constant 0 : index
    %get3A_50 = arith.constant 0 : index
    %get3A_51 = vector.load %arg10[%get3A_49, %get3A_50] : memref<64x1xf32, #tpu.memory_space<vmem>>, vector<64x1xf32>
    %broadcast_in_dim3A = arith.constant 1.000000e+00 : f32
    %broadcast_in_dim3A_52 = vector.broadcast %broadcast_in_dim3A : f32 to vector<2000x1xf32>
    %dot_general3A_53 = arith.constant dense<0.000000e+00> : vector<64x1xf32>
    %dot_general3A_54 = tpu.matmul %convert_element_type3A_41, %broadcast_in_dim3A_52, %dot_general3A_53 {dimension_numbers = #tpu.dot_dimension_numbers<[0], [0], [1], [1], [0, 1, 1, 1], [], []>, transpose_lhs_hint = false} : vector<2000x64xf32>, vector<2000x1xf32>, vector<64x1xf32> -> vector<64x1xf32>
    %add3A_55 = arith.addf %get3A_51, %dot_general3A_54 : vector<64x1xf32>
    %swap3A_56 = arith.constant 0 : index
    %swap3A_57 = arith.constant 0 : index
    %swap3A_58 = vector.load %arg10[%swap3A_56, %swap3A_57] : memref<64x1xf32, #tpu.memory_space<vmem>>, vector<64x1xf32>
    tpu.vector_store %arg10[%swap3A_56, %swap3A_57], %add3A_55 {strides = array<i32>} : memref<64x1xf32, #tpu.memory_space<vmem>>, vector<64x1xf32>,
    %eq3A_59 = arith.constant 4 : i32
    %eq3A_60 = arith.cmpi eq, %arg0, %eq3A_59 : i32
    %convert_element_type3A_61 = arith.extui %eq3A_60 : i1 to i32
    %cond3A_62 = arith.constant 0 : i32
    %cond3A_63 = arith.cmpi ne, %convert_element_type3A_61, %cond3A_62 : i32
    scf.if %cond3A_63 {
      %get3A_64 = arith.constant 0 : index
      %get3A_65 = arith.constant 0 : index
      %get3A_66 = vector.load %arg9[%get3A_64, %get3A_65] : memref<64x128xf32, #tpu.memory_space<vmem>>, vector<64x128xf32>
      %get3A_67 = arith.constant 0 : index
      %get3A_68 = arith.constant 0 : index
      %get3A_69 = vector.load %arg10[%get3A_67, %get3A_68] : memref<64x1xf32, #tpu.memory_space<vmem>>, vector<64x1xf32>
      %max3A = arith.constant 1.000000e+00 : f32
      %max3A_70 = vector.broadcast %max3A : f32 to vector<64x1xf32>
      %max3A_71 = arith.maximumf %get3A_69, %max3A_70 : vector<64x1xf32>
      %div3A = vector.broadcast %max3A_71 : vector<64x1xf32> to vector<64x128xf32>
      %div3A_72 = arith.divf %get3A_66, %div3A : vector<64x128xf32>
      %get3A_73 = arith.constant 0 : index
      %get3A_74 = arith.constant 0 : index
      %get3A_75 = vector.load %arg6[%get3A_73, %get3A_74] : memref<128x64xf32, #tpu.memory_space<vmem>>, vector<128x64xf32>
      %dot_general3A_76 = arith.constant dense<0.000000e+00> : vector<64x64xf32>
      %dot_general3A_77 = tpu.matmul %div3A_72, %get3A_75, %dot_general3A_76 {dimension_numbers = #tpu.dot_dimension_numbers<[1], [0], [0], [1], [0, 0, 1, 1], [], []>, transpose_lhs_hint = false} : vector<64x128xf32>, vector<128x64xf32>, vector<64x64xf32> -> vector<64x64xf32>
      %get3A_78 = arith.constant 0 : index
      %get3A_79 = arith.constant 0 : index
      %get3A_80 = vector.load %arg7[%get3A_78, %get3A_79] : memref<1x64xf32, #tpu.memory_space<vmem>>, vector<1x64xf32>
      %add3A_81 = vector.broadcast %get3A_80 : vector<1x64xf32> to vector<64x64xf32>
      %add3A_82 = arith.addf %dot_general3A_77, %add3A_81 : vector<64x64xf32>
      %logistic3A = arith.negf %add3A_82 : vector<64x64xf32>
      %logistic3A_83 = math.exp %logistic3A : vector<64x64xf32>
      %logistic3A_84 = arith.constant 1.000000e+00 : f32
      %logistic3A_85 = vector.broadcast %logistic3A_84 : f32 to vector<64x64xf32>
      %logistic3A_86 = arith.addf %logistic3A_85, %logistic3A_83 : vector<64x64xf32>
      %logistic3A_87 = arith.divf %logistic3A_85, %logistic3A_86 : vector<64x64xf32>
      %swap3A_88 = arith.constant 0 : index
      %swap3A_89 = arith.constant 0 : index
      %swap3A_90 = vector.load %arg8[%swap3A_88, %swap3A_89] : memref<64x64xf32, #tpu.memory_space<vmem>>, vector<64x64xf32>
      tpu.vector_store %arg8[%swap3A_88, %swap3A_89], %logistic3A_87 {strides = array<i32>} : memref<64x64xf32, #tpu.memory_space<vmem>>, vector<64x64xf32>,
    } else {
    }
    return
  }
  func.func @transform_0(%arg0: i32) -> (i32, i32, i32) {
    %c0_i32 = arith.constant 0 : i32
    %c0_i32_0 = arith.constant 0 : i32
    %c0_i32_1 = arith.constant 0 : i32
    return %c0_i32, %arg0, %c0_i32_0 : i32, i32, i32
  }
  func.func @transform_1(%arg0: i32) -> (i32, i32) {
    %c0_i32 = arith.constant 0 : i32
    %c0_i32_0 = arith.constant 0 : i32
    return %arg0, %c0_i32 : i32, i32
  }
  func.func @transform_2(%arg0: i32) -> (i32, i32) {
    %c0_i32 = arith.constant 0 : i32
    %c0_i32_0 = arith.constant 0 : i32
    return %arg0, %c0_i32 : i32, i32
  }
  func.func @transform_3(%arg0: i32) -> (i32, i32) {
    %c0_i32 = arith.constant 0 : i32
    %c0_i32_0 = arith.constant 0 : i32
    %c0_i32_1 = arith.constant 0 : i32
    return %c0_i32, %c0_i32_0 : i32, i32
  }
  func.func @transform_4(%arg0: i32) -> (i32, i32) {
    %c0_i32 = arith.constant 0 : i32
    %c0_i32_0 = arith.constant 0 : i32
    return %arg0, %c0_i32 : i32, i32
  }
  func.func @transform_5(%arg0: i32) -> (i32, i32) {
    %c0_i32 = arith.constant 0 : i32
    %c0_i32_0 = arith.constant 0 : i32
    %c0_i32_1 = arith.constant 0 : i32
    return %c0_i32, %c0_i32_0 : i32, i32
  }
  func.func @transform_6(%arg0: i32) -> (i32, i32) {
    %c0_i32 = arith.constant 0 : i32
    %c0_i32_0 = arith.constant 0 : i32
    %c0_i32_1 = arith.constant 0 : i32
    return %c0_i32, %c0_i32_0 : i32, i32
  }
  func.func @transform_7(%arg0: i32) -> (i32, i32) {
    %c0_i32 = arith.constant 0 : i32
    %c0_i32_0 = arith.constant 0 : i32
    %c0_i32_1 = arith.constant 0 : i32
    return %c0_i32, %c0_i32_0 : i32, i32
  }
}

</mosaic_0001>

<sc_bundles>
// kernel: kernel.12.cloned.1.call-start
scs
__scs_entry_jumppad:
0x0: {  	(pc) =	sbr.rel $0x88, $3  }
0x1: {  	(tag) =	ssettag $0x0;
	lr =	simm.s32 $0x1  }
0x2: {  	[smem:$0x3F98] =	sst lr;
	_ =	strace $0xD0000000  }
0x3: {  	_ = 	snop  }
0x4: {  	_ = 	snop  }
0x5: {  	_ = 	snop  }
0x6: {  	_ = 	snop  }
0x7: {  	_ = 	snop  }
__scs_overlays_trampoline_lowered:
0x8: {  	[smem:$0x3FA7] =	sst s0  }
0x9: {  	[smem:$0x3FA8] =	sst s1  }
0xa: {  	[smem:$0x3FA9] =	sst s2  }
0xb: {  	[smem:$0x3FAA] =	sst s3  }
0xc: {  	[smem:$0x3FAB] =	sst s4  }
0xd: {  	[smem:$0x3FAC] =	sst s5  }
0xe: {  	[smem:$0x3FAD] =	sst s6  }
0xf: {  	[smem:$0x3FAE] =	sst s7  }
0x10: {  	[smem:$0x3FAF] =	sst s8  }
0x11: {  	[smem:$0x3FB0] =	sst s9;
	s0 =	simm.s32 @!p0 $0x0  }
0x12: {  	s1 =	sld [smem:$0x3F96];
	s0 =	simm.s32 @p0 $0x1  }
0x13: {  	[smem:$0x3FB1] =	sst s0;
	s0 =	simm.s32 @!p1 $0x0  }
0x14: {  	s2 =	sld [smem:$0x3F95];
	s0 =	simm.s32 @p1 $0x1  }
0x15: {  	[smem:$0x3FB2] =	sst s0;
	s0 =	simm.s32 @!p2 $0x0  }
0x16: {  	s3 =	sld [smem:$0x3FDB];
	s0 =	simm.s32 @p2 $0x1  }
0x17: {  	s4 =	simm.s32 $0x1BF5;
	[smem:$0x3FB4] =	sst s0  }
0x18: {  	s0 =	sld [smem:$0x3F97];
	_ =	swait.ge [sflag:s4], $0x0  }
0x19: {  	s7 =	sld [smem:$0x3F98]  }
0x1a: {  	s8 =	sadd.s32 $0xFFFFE003, lr  }
0x1b: {  	s9 =	sadd.s32 $0xFFFFFEF7, lr;
	s5 =	simm.s32 $0xFFFFFFFF;
	p2 =	slt.u32 s8, $0xFFFFF086  }
0x1c: {  	p1 =	slt.u32 s9, $0xF7A;
	s5 =	simm.s32 @!p2 $0x0  }
0x1d: {  	s5 =	simm.s32 @p1 $0x1;
	p0 =	seq.s32 s7, s2  }
0x1e: {  	s7 =	smul.u32 @!p0 $0xF7A, s2;
	p2 =	seq.s32 @!p0 s5, $0x0  }
0x1f: {  	s9 =	smul.u32 $0xF7A, s1;
	s8 =	simm.s32 @!p0 $0x1BF5;
	p2 =	por !p2, p0  }
0x20: {  	[sflag:s8] =	ssyncset.s32 @!p0 $0xFFFFF086;
	s6 =	sadd.s32 @!p0 s3, s7;
	s7 =	simm.s32 @!p0 $0x108  }
0x21: {  	s3 =	sadd.s32 s3, s9;
	s6 =	sadd.s32 @!p0 $0x88, s6;
	s7 =	simm.s32 @p2 $0x1082  }
0x22: {  	[simem:s7], [sflag:s8] =	dma.local @!p0 [hbm:s6], $0xF7A  }
0x23: {  	s9 =	sor.u32 $0xD0000000, s2;
	s6 =	simm.s32 $0x108;
	_ =	swait.ge @!p0 [sflag:s8], $0x0  }
0x24: {  	s3 =	sadd.s32 $0x88, s3;
	s6 =	simm.s32 @!p1 $0x1082;
	[sflag:s4] =	ssyncset.s32 $0xFFFFF086  }
0x25: {  	[simem:s6], [sflag:s4] =	dma.local [hbm:s3], $0xF7A  }
0x26: {  	[smem:$0x3F98] =	sst s1;
	(tag) =	ssettag s2;
	_ =	strace s9  }
0x27: {  	s1 =	sld [smem:$0x3FA8]  }
0x28: {  	s2 =	sld [smem:$0x3FA9]  }
0x29: {  	s4 =	sld [smem:$0x3FAB]  }
0x2a: {  	p0 =	seq.s32 s5, $0x0;
	s5 =	sld [smem:$0x3FAC]  }
0x2b: {  	s6 =	sld [smem:$0x3FAD]  }
0x2c: {  	s7 =	sld [smem:$0x3FAE]  }
0x2d: {  	s3 =	simm.s32 $0x108;
	s8 =	sld [smem:$0x3FAF]  }
0x2e: {  	s3 =	simm.s32 @!p0 $0x1082;
	s9 =	sld [smem:$0x3FB0]  }
0x2f: {  	lr =	sadd.s32 s0, s3;
	s0 =	sld [smem:$0x3FA7]  }
0x30: {  	s3 =	sld [smem:$0x3FAA]  }
0x31: {  	[smem:$0x3FB3] =	sst s10  }
0x32: {  	s10 =	sld [smem:$0x3FB1];
	_ =	sdelay $0x3  }
0x33: {  	p0 =	seq.s32 s10, $0x1;
	s10 =	sld [smem:$0x3FB3];
	_ =	sdelay $0x3  }
0x34: {  	[smem:$0x3FB3] =	sst s10  }
0x35: {  	s10 =	sld [smem:$0x3FB2];
	_ =	sdelay $0x3  }
0x36: {  	p1 =	seq.s32 s10, $0x1;
	s10 =	sld [smem:$0x3FB3];
	_ =	sdelay $0x3  }
0x37: {  	[smem:$0x3FB3] =	sst s10  }
0x38: {  	s10 =	sld [smem:$0x3FB4]  }
0x39: {  	_ = 	snop;
	(pc) =	sbr.ind lr, $3  }
0x3a: {  	_ = 	snop  }
0x3b: {  	_ = 	snop  }
0x3c: {  	p2 =	seq.s32 s10, $0x1;
	s10 =	sld [smem:$0x3FB3]  }
0x3d: {  	_ =	shalt  }
0x3e: {  	_ =	shalt  }
0x3f: {  	_ =	shalt  }
0x40: {  	_ =	shalt  }
0x41: {  	_ =	shalt  }
0x42: {  	_ =	shalt  }
0x43: {  	_ =	shalt  }
0x44: {  	_ =	shalt  }
0x45: {  	_ =	shalt  }
0x46: {  	_ =	shalt  }
0x47: {  	_ =	shalt  }
0x48: {  	_ =	shalt  }
0x49: {  	_ =	shalt  }
0x4a: {  	_ =	shalt  }
0x4b: {  	_ =	shalt  }
0x4c: {  	_ =	shalt  }
0x4d: {  	_ =	shalt  }
0x4e: {  	_ =	shalt  }
0x4f: {  	_ =	shalt  }
0x50: {  	_ =	shalt  }
0x51: {  	_ =	shalt  }
0x52: {  	_ =	shalt  }
0x53: {  	_ =	shalt  }
0x54: {  	_ =	shalt  }
0x55: {  	_ =	shalt  }
0x56: {  	_ =	shalt  }
0x57: {  	_ =	shalt  }
0x58: {  	_ =	shalt  }
0x59: {  	_ =	shalt  }
0x5a: {  	_ =	shalt  }
0x5b: {  	_ =	shalt  }
0x5c: {  	_ =	shalt  }
0x5d: {  	_ =	shalt  }
0x5e: {  	_ =	shalt  }
0x5f: {  	_ =	shalt  }
0x60: {  	_ =	shalt  }
0x61: {  	_ =	shalt  }
0x62: {  	_ =	shalt  }
0x63: {  	_ =	shalt  }
0x64: {  	_ =	shalt  }
0x65: {  	_ =	shalt  }
0x66: {  	_ =	shalt  }
0x67: {  	_ =	shalt  }
0x68: {  	_ =	shalt  }
0x69: {  	_ =	shalt  }
0x6a: {  	_ =	shalt  }
0x6b: {  	_ =	shalt  }
0x6c: {  	_ =	shalt  }
0x6d: {  	_ =	shalt  }
0x6e: {  	_ =	shalt  }
0x6f: {  	_ =	shalt  }
0x70: {  	_ =	shalt  }
0x71: {  	_ =	shalt  }
0x72: {  	_ =	shalt  }
0x73: {  	_ =	shalt  }
0x74: {  	_ =	shalt  }
0x75: {  	_ =	shalt  }
0x76: {  	_ =	shalt  }
0x77: {  	_ =	shalt  }
0x78: {  	_ =	shalt  }
0x79: {  	_ =	shalt  }
0x7a: {  	_ =	shalt  }
0x7b: {  	_ =	shalt  }
0x7c: {  	_ =	shalt  }
0x7d: {  	_ =	shalt  }
0x7e: {  	_ =	shalt  }
0x7f: {  	_ =	shalt  }
0x80: {  	_ =	shalt  }
0x81: {  	_ =	shalt  }
0x82: {  	_ =	shalt  }
0x83: {  	_ =	shalt  }
0x84: {  	_ =	shalt  }
0x85: {  	_ =	shalt  }
0x86: {  	_ =	shalt  }
0x87: {  	_ =	shalt  }
.Lfunc_end0:
.L_simem_size_0:
called_computation.1_lowered:
.L_overlay_start_0:
0x88: {  	s2 =	sld [smem:$0x3FD9]  }
0x89: {  	s3 =	sld [smem:$0x3FFE];
	_ =	sdelay $0x1  }
0x8a: {  	s1 =	srdreg.scid  }
0x8b: {  	s0 =	sand.u32 $0x1, s1  }
0x8c: {  	s16 =	sshll.u32 s0, $0xA;
	s2 =	sadd.s32 s3, s2  }
0x8d: {  	s2 =	sadd.s32 s2, s16  }
0x8e: {  	[smem:$0x3FBF] =	sst s2  }
0x8f: {  	_ = 	snop  }
0x90: {  	(tm) =	ssettm $0x1  }
0x91: {  	s17 =	sld [smem:$0x3FFB];
	_ =	sdelay $0x3  }
0x92: {  	_ =	strace s17  }
0x93: {  	s2 =	sld [smem:$0x3FFC];
	_ =	sdelay $0x3  }
0x94: {  	_ =	strace s2  }
0x95: {  	s2 =	sld [smem:$0x3FFD];
	_ =	sdelay $0x3  }
0x96: {  	_ =	strace s2  }
0x97: {  	_ =	strace $0x8FFFFFFF  }
0x98: {  	s18 =	sld [smem:$0x3FDB];
	_ =	sdelay $0x1  }
0x99: {  	s19 =	simm.s32 $_scs_section_size  }
0x9a: {  	s4 =	simm.s32 $_size__tile_overlayer_lowered;
	s5 =	simm.s32 $_tile_overlayer_lowered  }
0x9b: {  	s22 =	simm.s32 $0x1BFF;
	s21 =	sshll.u32 s5, $0x1;
	s2 =	sadd.s32 s19, s18  }
0x9c: {  	s6 =	simm.s32 $0x0;
	s20 =	sshll.u32 s4, $0x1;
	s4 =	sadd.s32 s21, s2  }
0x9d: {  	[timem:s6], [sflag:s22] =	dma.local [hbm:s4], s20  }
0x9e: {  	_ =	swait.ge [sflag:s22], s20  }
0x9f: {  	s3 =	ssub.s32 $0x0, s20;
	[sflag:s22] =	ssyncset.done $0x0  }
0xa0: {  	[sflag:s22] =	ssyncadd.s32 s3;
	_ =	sdelay $0x1  }
0xa1: {  	s23 =	simm.s32 $0x1B8B  }
0xa2: {  	_ =	swait.ge [sflag:s23], $0x1  }
0xa3: {  	[sflag:s23] =	ssyncset.done $0x0  }
0xa4: {  	s25 =	simm.s32 $0x1B8E;
	s24 =	sld [smem:$0x3FFE];
	[sflag:s23] =	ssyncadd.s32 $0xFFFFFFFF  }
0xa5: {  	s26 =	simm.s32 $execute0_lowered;
	[smem:$0x3FD2] =	sst s25  }
0xa6: {  	s4 =	sshll.u32 s26, $0x1;
	_ =	strace $0x80000049;
	[dreg:$0x1] =	wrdreg $0xFFFFFFFF  }
0xa7: {  	s28 =	simm.s32 $_size_execute0_lowered;
	s2 =	sadd.s32 s2, s4;
	[dreg:$0x0] =	wrdreg $0x0  }
0xa8: {  	s4 =	sshll.u32 s28, $0x1;
	[dreg:$0x2] =	wrdreg s2  }
0xa9: {  	[dreg:$0x3] =	wrdreg s4  }
0xaa: {  	[dreg:$0x4] =	wrdreg $0xC0  }
0xab: {  	_ =	task [dreg:s6], $0x5FFFF  }
0xac: {  	[dreg:$0x1] =	wrdreg $0xFFFFFFFF  }
0xad: {  	[dreg:$0x0] =	wrdreg $0x60  }
0xae: {  	[dreg:$0x2] =	wrdreg s24  }
0xaf: {  	[dreg:$0x3] =	wrdreg $0x78800  }
0xb0: {  	[dreg:$0x4] =	wrdreg $0x9  }
0xb1: {  	_ =	task.clear_ibuf [dreg:s6], $0x5FFFF;
	_ =	strace $0x90000049  }
0xb2: {  	s29 =	simm.s32 $0x9;
	_ =	strace $0x8000004B  }
0xb3: {  	_ =	swait.ge [sflag:s29], $0x1  }
0xb4: {  	[sflag:s29] =	ssyncadd.s32 $0xFFFFFFFF  }
0xb5: {  	_ =	strace $0x9000004B  }
0xb6: {  	_ =	sfence  }
0xb7: {  	s30 =	sld [smem:$0x0];
	_ =	sdelay $0x2  }
0xb8: {  	s31 =	sshll.u32 s1, $0xD;
	s1 =	sshrl.u32 s1, $0x2  }
0xb9: {  	s3 =	sand.u32 $0x4000, s31;
	s1 =	sadd.s32 s1, s30  }
0xba: {  	s0 =	sor.u32 s3, s0;
	s1 =	sshll.u32 s1, $0x11  }
0xbb: {  	s0 =	sor.u32 s1, s0  }
0xbc: {  	s0 =	sadd.s32 $0x8F2B, s0  }
0xbd: {  	[sflag:s0] =	ssyncadd.remote.s32 $0x1  }
0xbe: {  	_ =	sfence.sel $0xFFFF  }
0xbf: {  	[dreg:$0x0] =	wrdreg $0xFFFFFFFF;
	(pc) =	sbr.abs _section_cstart, $3  }
0xc0: {  	[dreg:$0x1] =	wrdreg $0xFFFFFFFF  }
0xc1: {  	_ =	task.clear_ibuf [dreg:s6], $0x2FFFF;
	_ =	strace $0x9FFFFFFF  }
0xc2: {  	(tm) =	ssettm $0x7FFFFFFF  }
0xc3: {  	_ =	shalt  }
tec
execute0_lowered:
.L_overlay_start_1:
0x0: {  	(tag) =	ssettag $0x1  }
0x1: {  	s1 =	srdreg.scid;
	s7 =	rddreg [dreg:$0x0]  }
0x2: {  	s0 =	stileid.u32;
	s2 =	rddreg [dreg:$0x1];
	s3 =	simm.s32 $0x0  }
0x3: {  	s18 =	simm.s32 $0x2780;
	s19 =	simm.s32 $0x50;
	s20 =	simm.s32 $0x2880  }
0x4: {  	s21 =	simm.s32 $0x2800;
	s22 =	simm.s32 $0x5080;
	s23 =	simm.s32 $0x1  }
0x5: {  	s8 =	sand.u32 $0x1, s1;
	s24 =	sshll.u32 s0, $0x1;
	s11 =	smul.u32 $0x14000, s0  }
0x6: {  	[smem:$0x7FF] =	sst s3;
	s5 =	sadd.s32 $0xC400, s7;
	s25 =	smul.u32 $0x50000, s0  }
0x7: {  	s6 =	sadd.s32 $0x3D400, s7;
	s14 =	smul.u32 $0x4E20, s0;
	s29 =	sshll.u32 s0, $0x6  }
0x8: {  	s4 =	sor.u32 s8, s24;
	s9 =	smul.u32 $0x140000, s8;
	_ =	strace $0x8000004A  }
0x9: {  	s13 =	ssub.s32 $0x2, s8;
	s8 =	smul.u32 $0x2710, s8;
	s24 =	simm.s32 $0x2  }
0xa: {  	s4 =	smul.u32 $0x2710, s4;
	s26 =	sshrl.u32 s13, $0x1;
	s28 =	sshrl.u32 s25, $0x2  }
0xb: {  	s25 =	simm.s32 $0x26C0;
	s9 =	sadd.s32 s11, s9;
	s13 =	ssub.s32 s13, s26  }
0xc: {  	s16 =	sadd.s32 s28, s2;
	s17 =	sadd.s32 s8, s14;
	s26 =	simm.s32 $0x0  }
0xd: {  	s10 =	sshrl.u32 s4, $0x3;
	s4 =	sadd.s32 $0x16200, s7;
	s9 =	sshrl.u32 s9, $0x3  }
0xe: {  	s30 =	sadd.s32 $0xF0, s17;
	s13 =	smax.u32 s13, $0x1;
	s16 =	sshrl.u32 s16, $0x3  }
0xf: {  	s12 =	sadd.s32 s10, s7;
	s15 =	sadd.s32 s9, s7;
	s7 =	sor.u32 $0x1C03, s29  }
0x10: {  	s9 =	sadd.s32 s5, s10;
	s31 =	sshrl.u32 s30, $0x3;
	s8 =	sadd.s32 $0x2600, s12  }
0x11: {  	s10 =	sadd.s32 $0xA, s9;
	s11 =	sadd.s32 $0x4D8, s9;
	s12 =	sadd.s32 $0x3FC00, s15  }
0x12: {  	s14 =	sadd.s32 s31, s5;
	s15 =	sadd.s32 $0xA0, s17;
	s17 =	simm.s32 $0x3  }
.LBB2_1:
0x13: {  	[spmem:s16], [sflag:s7] =	dma.local [hbm:s6], $0x2800  }
0x14: {  	_ =	swait.ge [sflag:s17], $0x2800  }
0x15: {  	[sflag:s17] =	ssyncset.done $0x0  }
0x16: {  	[sflag:s17] =	ssyncadd.s32 $0xFFFFD800  }
0x17: {  	[tilespmem:s3], [sflag:$0x3] =	stream.linear.gather [hbm4b:s8+s3], $0x2710, $0x38;
	[tilespmem:$0x1B880] =	vst v63  }
0x18: {  	_ =	swait.ge [sflag:s17], $0x2710  }
0x19: {  	[sflag:s17] =	ssyncset.done $0x0  }
0x1a: {  	[sflag:s17] =	ssyncadd.s32 $0xFFFFD8F0  }
0x1b: {  	[bflag:$0x0] =	sbarrier.arrive $0xFFFF  }
0x1c: {  	[tilespmem:s18], [sflag:$0x1] =	stream.linear.gather [hbm4b:s9+s3], $0x50, $0x38;
	[tilespmem:$0x1B880] =	vst v63  }
0x1d: {  	_ = 	snop  }
0x1e: {  	[tilespmem:s20], [sflag:$0x1] =	stream.indirect.gather [hbm4b:s4+s19], $0x80, s3, s19, $0xb8;
	[tilespmem:$0x1B880] =	vst v63  }
0x1f: {  	_ = 	snop  }
0x20: {  	[tilespmem:s21], [sflag:$0x2] =	stream.linear.gather [hbm4b:s10+s3], $0x50, $0x38;
	[tilespmem:$0x1B880] =	vst v63  }
0x21: {  	_ = 	snop  }
0x22: {  	[tilespmem:s22], [sflag:$0x2] =	stream.indirect.gather [hbm4b:s4+s19], $0x80, s19, s19, $0xb8;
	[tilespmem:$0x1B880] =	vst v63  }
0x23: {  	_ =	swait.ge [sflag:s23], $0x50  }
0x24: {  	[sflag:s23] =	ssyncset.done $0x0  }
0x25: {  	[sflag:s23] =	ssyncadd.s32 $0xFFFFFFB0  }
0x26: {  	_ =	swait.ge [sflag:s23], $0x2800  }
0x27: {  	[sflag:s23] =	ssyncset.done $0x0  }
0x28: {  	[sflag:s23] =	ssyncadd.s32 $0xFFFFD800  }
0x29: {  	[spmem:s2] =	stream.indirect.scatter.add.f32 [tilespmem:s20], [sflag:$0x3], $0x80, s18, s19, $0xb8;
	[tilespmem:$0x1B880] =	vst v63  }
0x2a: {  	_ =	swait.ge [sflag:s17], $0x2800  }
0x2b: {  	s28 =	sshrl.u32 s15, $0x3;
	[sflag:s17] =	ssyncset.done $0x0  }
0x2c: {  	s28 =	sadd.s32 s5, s28;
	[sflag:s17] =	ssyncadd.s32 $0xFFFFD800  }
0x2d: {  	[tilespmem:s18], [sflag:$0x1] =	stream.linear.gather [hbm4b:s28+s3], $0x50, $0x38;
	[tilespmem:$0x1B880] =	vst v63  }
0x2e: {  	s28 =	simm.s32 $0xA0  }
0x2f: {  	[tilespmem:s20], [sflag:$0x1] =	stream.indirect.gather [hbm4b:s4+s19], $0x80, s28, s19, $0xb8;
	[tilespmem:$0x1B880] =	vst v63  }
0x30: {  	_ =	swait.ge [sflag:s24], $0x50  }
0x31: {  	[sflag:s24] =	ssyncset.done $0x0  }
0x32: {  	[sflag:s24] =	ssyncadd.s32 $0xFFFFFFB0  }
0x33: {  	_ =	swait.ge [sflag:s24], $0x2800  }
0x34: {  	[sflag:s24] =	ssyncset.done $0x0  }
0x35: {  	[sflag:s24] =	ssyncadd.s32 $0xFFFFD800  }
0x36: {  	[spmem:s2] =	stream.indirect.scatter.add.f32 [tilespmem:s22], [sflag:$0x3], $0x80, s21, s19, $0xb8;
	[tilespmem:$0x1B880] =	vst v63  }
0x37: {  	_ =	swait.ge [sflag:s17], $0x2800  }
0x38: {  	[sflag:s17] =	ssyncset.done $0x0  }
0x39: {  	s29 =	simm.s32 $0x14;
	s28 =	sadd.s32 $0x0, s14;
	[sflag:s17] =	ssyncadd.s32 $0xFFFFD800  }
0x3a: {  	[tilespmem:s21], [sflag:$0x2] =	stream.linear.gather [hbm4b:s28+s3], $0x50, $0x38;
	[tilespmem:$0x1B880] =	vst v63  }
0x3b: {  	s30 =	simm.s32 $0x190;
	s31 =	sadd.s32 $0xA0, s15;
	s28 =	simm.s32 $0xF0  }
.LBB2_2:
0x3c: {  	[tilespmem:s22], [sflag:$0x2] =	stream.indirect.gather [hbm4b:s4+s19], $0x80, s28, s19, $0xb8;
	[tilespmem:$0x1B880] =	vst v63  }
0x3d: {  	s1 =	smov.u32 s29;
	s28 =	smov.u32 s30  }
0x3e: {  	p0 =	sne.s32 s29, $0x4B0;
	s29 =	sadd.s32 $0x14, s29;
	_ =	swait.ge [sflag:s23], $0x50  }
0x3f: {  	[sflag:s23] =	ssyncset.done $0x0  }
0x40: {  	[sflag:s23] =	ssyncadd.s32 $0xFFFFFFB0  }
0x41: {  	_ =	swait.ge [sflag:s23], $0x2800  }
0x42: {  	[sflag:s23] =	ssyncset.done $0x0  }
0x43: {  	[sflag:s23] =	ssyncadd.s32 $0xFFFFD800  }
0x44: {  	[spmem:s2] =	stream.indirect.scatter.add.f32 [tilespmem:s20], [sflag:$0x3], $0x80, s18, s19, $0xb8;
	[tilespmem:$0x1B880] =	vst v63  }
0x45: {  	_ =	swait.ge [sflag:s17], $0x2800  }
0x46: {  	s0 =	sshrl.u32 s31, $0x3;
	[sflag:s17] =	ssyncset.done $0x0  }
0x47: {  	s0 =	sadd.s32 s5, s0;
	[sflag:s17] =	ssyncadd.s32 $0xFFFFD800  }
0x48: {  	[tilespmem:s18], [sflag:$0x1] =	stream.linear.gather [hbm4b:s0+s3], $0x50, $0x38;
	[tilespmem:$0x1B880] =	vst v63  }
0x49: {  	s0 =	sadd.s32 $0xFFFFFFB0, s30  }
0x4a: {  	[tilespmem:s20], [sflag:$0x1] =	stream.indirect.gather [hbm4b:s4+s19], $0x80, s0, s19, $0xb8;
	[tilespmem:$0x1B880] =	vst v63  }
0x4b: {  	_ =	swait.ge [sflag:s24], $0x50  }
0x4c: {  	[sflag:s24] =	ssyncset.done $0x0  }
0x4d: {  	[sflag:s24] =	ssyncadd.s32 $0xFFFFFFB0  }
0x4e: {  	_ =	swait.ge [sflag:s24], $0x2800  }
0x4f: {  	[sflag:s24] =	ssyncset.done $0x0  }
0x50: {  	[sflag:s24] =	ssyncadd.s32 $0xFFFFD800  }
0x51: {  	[spmem:s2] =	stream.indirect.scatter.add.f32 [tilespmem:s22], [sflag:$0x3], $0x80, s21, s19, $0xb8;
	[tilespmem:$0x1B880] =	vst v63  }
.Ltmp0:
0x52: {  	_ =	swait.ge [sflag:s17], $0x2800;
	(pc) =	sbr.rel @p0 .LBB2_2-.Ltmp0, $4  }
0x53: {  	[sflag:s17] =	ssyncset.done $0x0  }
0x54: {  	s0 =	sadd.s32 s1, s14;
	[sflag:s17] =	ssyncadd.s32 $0xFFFFD800  }
0x55: {  	[tilespmem:s21], [sflag:$0x2] =	stream.linear.gather [hbm4b:s0+s3], $0x50, $0x38;
	[tilespmem:$0x1B880] =	vst v63  }
0x56: {  	s31 =	sadd.s32 $0xA0, s31;
	s30 =	sadd.s32 $0xA0, s30  }
0x57: {  	[tilespmem:s22], [sflag:$0x2] =	stream.indirect.gather [hbm4b:s4+s19], $0x80, s28, s19, $0xb8;
	[tilespmem:$0x1B880] =	vst v63  }
0x58: {  	_ =	swait.ge [sflag:s23], $0x50  }
0x59: {  	[sflag:s23] =	ssyncset.done $0x0  }
0x5a: {  	[sflag:s23] =	ssyncadd.s32 $0xFFFFFFB0  }
0x5b: {  	_ =	swait.ge [sflag:s23], $0x2800  }
0x5c: {  	[sflag:s23] =	ssyncset.done $0x0  }
0x5d: {  	[sflag:s23] =	ssyncadd.s32 $0xFFFFD800  }
0x5e: {  	[spmem:s2] =	stream.indirect.scatter.add.f32 [tilespmem:s20], [sflag:$0x3], $0x80, s18, s19, $0xb8;
	[tilespmem:$0x1B880] =	vst v63  }
0x5f: {  	_ =	swait.ge [sflag:s17], $0x2800  }
0x60: {  	[sflag:s17] =	ssyncset.done $0x0  }
0x61: {  	[sflag:s17] =	ssyncadd.s32 $0xFFFFD800  }
0x62: {  	[tilespmem:s18], [sflag:$0x1] =	stream.linear.gather [hbm4b:s11+s3], $0x50, $0x38;
	[tilespmem:$0x1B880] =	vst v63  }
0x63: {  	_ = 	snop  }
0x64: {  	[tilespmem:s20], [sflag:$0x1] =	stream.indirect.gather [hbm4b:s4+s19], $0x80, s25, s19, $0xb8;
	[tilespmem:$0x1B880] =	vst v63  }
0x65: {  	_ =	swait.ge [sflag:s24], $0x50  }
0x66: {  	[sflag:s24] =	ssyncset.done $0x0  }
0x67: {  	[sflag:s24] =	ssyncadd.s32 $0xFFFFFFB0  }
0x68: {  	_ =	swait.ge [sflag:s24], $0x2800  }
0x69: {  	[sflag:s24] =	ssyncset.done $0x0  }
0x6a: {  	[sflag:s24] =	ssyncadd.s32 $0xFFFFD800  }
0x6b: {  	[spmem:s2] =	stream.indirect.scatter.add.f32 [tilespmem:s22], [sflag:$0x3], $0x80, s21, s19, $0xb8;
	[tilespmem:$0x1B880] =	vst v63  }
0x6c: {  	_ =	swait.ge [sflag:s17], $0x2800  }
0x6d: {  	[sflag:s17] =	ssyncset.done $0x0  }
0x6e: {  	[sflag:s17] =	ssyncadd.s32 $0xFFFFD800  }
0x6f: {  	_ =	swait.ge [sflag:s23], $0x50  }
0x70: {  	[sflag:s23] =	ssyncset.done $0x0  }
0x71: {  	[sflag:s23] =	ssyncadd.s32 $0xFFFFFFB0  }
0x72: {  	_ =	swait.ge [sflag:s23], $0x2800  }
0x73: {  	[sflag:s23] =	ssyncset.done $0x0  }
0x74: {  	[sflag:s23] =	ssyncadd.s32 $0xFFFFD800  }
0x75: {  	[spmem:s2] =	stream.indirect.scatter.add.f32 [tilespmem:s20], [sflag:$0x3], $0x80, s18, s19, $0xb8;
	[tilespmem:$0x1B880] =	vst v63  }
0x76: {  	_ =	swait.ge [sflag:s17], $0x2800  }
0x77: {  	s26 =	sadd.s32 $0x1, s26;
	[sflag:s17] =	ssyncset.done $0x0  }
0x78: {  	p0 =	sne.s32 s26, s13;
	[sflag:s17] =	ssyncadd.s32 $0xFFFFD800  }
.Ltmp1:
0x79: {  	[bflag:$0x0] =	sbarrier.arrive $0xFFFF;
	(pc) =	sbr.rel @p0 .LBB2_1-.Ltmp1, $4  }
0x7a: {  	[hbm:s12], [sflag:s7] =	dma.local [spmem:s16], $0x2800  }
0x7b: {  	_ =	swait.ge [sflag:s17], $0x2800  }
0x7c: {  	[sflag:s17] =	ssyncset.done $0x0  }
0x7d: {  	[sflag:s17] =	ssyncadd.s32 $0xFFFFD800  }
0x7e: {  	_ =	sfence.sel $0x180000  }
0x7f: {  	[bflag:$0x0] =	sbarrier.arrive $0xFFFF  }
0x80: {  	_ =	strace $0x9000004A  }
0x81: {  	s0 =	stileid.u32;
	[bflag:$0x2] =	sbarrier.arrive $0xFFFF  }
0x82: {  	p0 =	sne.s32 s0, $0x0;
	s0 =	rddreg [dreg:$0x2]  }
0x83: {  	s0 =	sadd.s32 @!p0 $0x100000, s0  }
0x84: {  	[sflag:s0] =	ssyncadd.tile.s32 @!p0 $0x1;
	_ =	shalt  }
.Lfunc_end2:
_tile_overlayer_lowered:
.L_overlay_start_2:
0x85: {  	(tag) =	ssettag $0x2  }
0x86: {  	s0 =	rddreg [dreg:$0x0];
	s2 =	stileid.u32  }
0x87: {  	s1 =	rddreg [dreg:$0x1];
	p0 =	sne.s32 s2, $0x0  }
0x88: {  	s3 =	rddreg [dreg:$0x2];
	[bflag:$0x3] =	sbarrier.arrive $0xFFFF;
	s2 =	simm.s32 @!p0 $0x1C03  }
0x89: {  	[timem:s3], [sflag:s2] =	dma.local @!p0 [hbm:s0], s1  }
0x8a: {  	s0 =	simm.s32 @!p0 $0x3  }
0x8b: {  	_ =	swait.ge @!p0 [sflag:s0], s1  }
0x8c: {  	s1 =	ssub.s32 @!p0 $0x0, s1;
	[sflag:s0] =	ssyncset.done @!p0 $0x0  }
0x8d: {  	[sflag:s0] =	ssyncadd.s32 @!p0 s1  }
0x8e: {  	[bflag:$0x3] =	sbarrier.arrive $0xFFFF  }
0x8f: {  	_ =	shalt  }

// kernel: kernel.15.cloned.1.call-start
scs
__scs_entry_jumppad:
0x0: {  	(pc) =	sbr.rel $0x88, $3  }
0x1: {  	(tag) =	ssettag $0x0;
	lr =	simm.s32 $0x1  }
0x2: {  	[smem:$0x3F98] =	sst lr;
	_ =	strace $0xD0000000  }
0x3: {  	_ = 	snop  }
0x4: {  	_ = 	snop  }
0x5: {  	_ = 	snop  }
0x6: {  	_ = 	snop  }
0x7: {  	_ = 	snop  }
__scs_overlays_trampoline_lowered:
0x8: {  	[smem:$0x3FA7] =	sst s0  }
0x9: {  	[smem:$0x3FA8] =	sst s1  }
0xa: {  	[smem:$0x3FA9] =	sst s2  }
0xb: {  	[smem:$0x3FAA] =	sst s3  }
0xc: {  	[smem:$0x3FAB] =	sst s4  }
0xd: {  	[smem:$0x3FAC] =	sst s5  }
0xe: {  	[smem:$0x3FAD] =	sst s6  }
0xf: {  	[smem:$0x3FAE] =	sst s7  }
0x10: {  	[smem:$0x3FAF] =	sst s8  }
0x11: {  	[smem:$0x3FB0] =	sst s9;
	s0 =	simm.s32 @!p0 $0x0  }
0x12: {  	s1 =	sld [smem:$0x3F96];
	s0 =	simm.s32 @p0 $0x1  }
0x13: {  	[smem:$0x3FB1] =	sst s0;
	s0 =	simm.s32 @!p1 $0x0  }
0x14: {  	s2 =	sld [smem:$0x3F95];
	s0 =	simm.s32 @p1 $0x1  }
0x15: {  	[smem:$0x3FB2] =	sst s0;
	s0 =	simm.s32 @!p2 $0x0  }
0x16: {  	s3 =	sld [smem:$0x3FDB];
	s0 =	simm.s32 @p2 $0x1  }
0x17: {  	s4 =	simm.s32 $0x1BF5;
	[smem:$0x3FB4] =	sst s0  }
0x18: {  	s0 =	sld [smem:$0x3F97];
	_ =	swait.ge [sflag:s4], $0x0  }
0x19: {  	s7 =	sld [smem:$0x3F98]  }
0x1a: {  	s8 =	sadd.s32 $0xFFFFE003, lr  }
0x1b: {  	s9 =	sadd.s32 $0xFFFFFEF7, lr;
	s5 =	simm.s32 $0xFFFFFFFF;
	p2 =	slt.u32 s8, $0xFFFFF086  }
0x1c: {  	p1 =	slt.u32 s9, $0xF7A;
	s5 =	simm.s32 @!p2 $0x0  }
0x1d: {  	s5 =	simm.s32 @p1 $0x1;
	p0 =	seq.s32 s7, s2  }
0x1e: {  	s7 =	smul.u32 @!p0 $0xF7A, s2;
	p2 =	seq.s32 @!p0 s5, $0x0  }
0x1f: {  	s9 =	smul.u32 $0xF7A, s1;
	s8 =	simm.s32 @!p0 $0x1BF5;
	p2 =	por !p2, p0  }
0x20: {  	[sflag:s8] =	ssyncset.s32 @!p0 $0xFFFFF086;
	s6 =	sadd.s32 @!p0 s3, s7;
	s7 =	simm.s32 @!p0 $0x108  }
0x21: {  	s3 =	sadd.s32 s3, s9;
	s6 =	sadd.s32 @!p0 $0x88, s6;
	s7 =	simm.s32 @p2 $0x1082  }
0x22: {  	[simem:s7], [sflag:s8] =	dma.local @!p0 [hbm:s6], $0xF7A  }
0x23: {  	s9 =	sor.u32 $0xD0000000, s2;
	s6 =	simm.s32 $0x108;
	_ =	swait.ge @!p0 [sflag:s8], $0x0  }
0x24: {  	s3 =	sadd.s32 $0x88, s3;
	s6 =	simm.s32 @!p1 $0x1082;
	[sflag:s4] =	ssyncset.s32 $0xFFFFF086  }
0x25: {  	[simem:s6], [sflag:s4] =	dma.local [hbm:s3], $0xF7A  }
0x26: {  	[smem:$0x3F98] =	sst s1;
	(tag) =	ssettag s2;
	_ =	strace s9  }
0x27: {  	s1 =	sld [smem:$0x3FA8]  }
0x28: {  	s2 =	sld [smem:$0x3FA9]  }
0x29: {  	s4 =	sld [smem:$0x3FAB]  }
0x2a: {  	p0 =	seq.s32 s5, $0x0;
	s5 =	sld [smem:$0x3FAC]  }
0x2b: {  	s6 =	sld [smem:$0x3FAD]  }
0x2c: {  	s7 =	sld [smem:$0x3FAE]  }
0x2d: {  	s3 =	simm.s32 $0x108;
	s8 =	sld [smem:$0x3FAF]  }
0x2e: {  	s3 =	simm.s32 @!p0 $0x1082;
	s9 =	sld [smem:$0x3FB0]  }
0x2f: {  	lr =	sadd.s32 s0, s3;
	s0 =	sld [smem:$0x3FA7]  }
0x30: {  	s3 =	sld [smem:$0x3FAA]  }
0x31: {  	[smem:$0x3FB3] =	sst s10  }
0x32: {  	s10 =	sld [smem:$0x3FB1];
	_ =	sdelay $0x3  }
0x33: {  	p0 =	seq.s32 s10, $0x1;
	s10 =	sld [smem:$0x3FB3];
	_ =	sdelay $0x3  }
0x34: {  	[smem:$0x3FB3] =	sst s10  }
0x35: {  	s10 =	sld [smem:$0x3FB2];
	_ =	sdelay $0x3  }
0x36: {  	p1 =	seq.s32 s10, $0x1;
	s10 =	sld [smem:$0x3FB3];
	_ =	sdelay $0x3  }
0x37: {  	[smem:$0x3FB3] =	sst s10  }
0x38: {  	s10 =	sld [smem:$0x3FB4]  }
0x39: {  	_ = 	snop;
	(pc) =	sbr.ind lr, $3  }
0x3a: {  	_ = 	snop  }
0x3b: {  	_ = 	snop  }
0x3c: {  	p2 =	seq.s32 s10, $0x1;
	s10 =	sld [smem:$0x3FB3]  }
0x3d: {  	_ =	shalt  }
0x3e: {  	_ =	shalt  }
0x3f: {  	_ =	shalt  }
0x40: {  	_ =	shalt  }
0x41: {  	_ =	shalt  }
0x42: {  	_ =	shalt  }
0x43: {  	_ =	shalt  }
0x44: {  	_ =	shalt  }
0x45: {  	_ =	shalt  }
0x46: {  	_ =	shalt  }
0x47: {  	_ =	shalt  }
0x48: {  	_ =	shalt  }
0x49: {  	_ =	shalt  }
0x4a: {  	_ =	shalt  }
0x4b: {  	_ =	shalt  }
0x4c: {  	_ =	shalt  }
0x4d: {  	_ =	shalt  }
0x4e: {  	_ =	shalt  }
0x4f: {  	_ =	shalt  }
0x50: {  	_ =	shalt  }
0x51: {  	_ =	shalt  }
0x52: {  	_ =	shalt  }
0x53: {  	_ =	shalt  }
0x54: {  	_ =	shalt  }
0x55: {  	_ =	shalt  }
0x56: {  	_ =	shalt  }
0x57: {  	_ =	shalt  }
0x58: {  	_ =	shalt  }
0x59: {  	_ =	shalt  }
0x5a: {  	_ =	shalt  }
0x5b: {  	_ =	shalt  }
0x5c: {  	_ =	shalt  }
0x5d: {  	_ =	shalt  }
0x5e: {  	_ =	shalt  }
0x5f: {  	_ =	shalt  }
0x60: {  	_ =	shalt  }
0x61: {  	_ =	shalt  }
0x62: {  	_ =	shalt  }
0x63: {  	_ =	shalt  }
0x64: {  	_ =	shalt  }
0x65: {  	_ =	shalt  }
0x66: {  	_ =	shalt  }
0x67: {  	_ =	shalt  }
0x68: {  	_ =	shalt  }
0x69: {  	_ =	shalt  }
0x6a: {  	_ =	shalt  }
0x6b: {  	_ =	shalt  }
0x6c: {  	_ =	shalt  }
0x6d: {  	_ =	shalt  }
0x6e: {  	_ =	shalt  }
0x6f: {  	_ =	shalt  }
0x70: {  	_ =	shalt  }
0x71: {  	_ =	shalt  }
0x72: {  	_ =	shalt  }
0x73: {  	_ =	shalt  }
0x74: {  	_ =	shalt  }
0x75: {  	_ =	shalt  }
0x76: {  	_ =	shalt  }
0x77: {  	_ =	shalt  }
0x78: {  	_ =	shalt  }
0x79: {  	_ =	shalt  }
0x7a: {  	_ =	shalt  }
0x7b: {  	_ =	shalt  }
0x7c: {  	_ =	shalt  }
0x7d: {  	_ =	shalt  }
0x7e: {  	_ =	shalt  }
0x7f: {  	_ =	shalt  }
0x80: {  	_ =	shalt  }
0x81: {  	_ =	shalt  }
0x82: {  	_ =	shalt  }
0x83: {  	_ =	shalt  }
0x84: {  	_ =	shalt  }
0x85: {  	_ =	shalt  }
0x86: {  	_ =	shalt  }
0x87: {  	_ =	shalt  }
.Lfunc_end0:
.L_simem_size_0:
called_computation.2_lowered:
.L_overlay_start_0:
0x88: {  	s2 =	sld [smem:$0x3FD9]  }
0x89: {  	s3 =	sld [smem:$0x3FFE];
	_ =	sdelay $0x1  }
0x8a: {  	s1 =	srdreg.scid  }
0x8b: {  	s0 =	sand.u32 $0x1, s1  }
0x8c: {  	s16 =	sshll.u32 s0, $0xA;
	s2 =	sadd.s32 s3, s2  }
0x8d: {  	s2 =	sadd.s32 s2, s16  }
0x8e: {  	[smem:$0x3FBF] =	sst s2  }
0x8f: {  	_ = 	snop  }
0x90: {  	(tm) =	ssettm $0x1  }
0x91: {  	s17 =	sld [smem:$0x3FFB];
	_ =	sdelay $0x3  }
0x92: {  	_ =	strace s17  }
0x93: {  	s2 =	sld [smem:$0x3FFC];
	_ =	sdelay $0x3  }
0x94: {  	_ =	strace s2  }
0x95: {  	s2 =	sld [smem:$0x3FFD];
	_ =	sdelay $0x3  }
0x96: {  	_ =	strace s2  }
0x97: {  	_ =	strace $0x8FFFFFFF  }
0x98: {  	s18 =	sld [smem:$0x3FDB];
	_ =	sdelay $0x1  }
0x99: {  	s19 =	simm.s32 $_scs_section_size  }
0x9a: {  	s4 =	simm.s32 $_size__tile_overlayer_lowered;
	s5 =	simm.s32 $_tile_overlayer_lowered  }
0x9b: {  	s22 =	simm.s32 $0x1BFF;
	s21 =	sshll.u32 s5, $0x1;
	s2 =	sadd.s32 s19, s18  }
0x9c: {  	s6 =	simm.s32 $0x0;
	s20 =	sshll.u32 s4, $0x1;
	s4 =	sadd.s32 s21, s2  }
0x9d: {  	[timem:s6], [sflag:s22] =	dma.local [hbm:s4], s20  }
0x9e: {  	_ =	swait.ge [sflag:s22], s20  }
0x9f: {  	s3 =	ssub.s32 $0x0, s20;
	[sflag:s22] =	ssyncset.done $0x0  }
0xa0: {  	[sflag:s22] =	ssyncadd.s32 s3;
	_ =	sdelay $0x1  }
0xa1: {  	s23 =	simm.s32 $0x1B8B  }
0xa2: {  	_ =	swait.ge [sflag:s23], $0x1  }
0xa3: {  	[sflag:s23] =	ssyncset.done $0x0  }
0xa4: {  	s25 =	simm.s32 $0x1B8E;
	s24 =	sld [smem:$0x3FFE];
	[sflag:s23] =	ssyncadd.s32 $0xFFFFFFFF  }
0xa5: {  	s26 =	simm.s32 $execute0_lowered;
	[smem:$0x3FD2] =	sst s25  }
0xa6: {  	s4 =	sshll.u32 s26, $0x1;
	_ =	strace $0x8000004C;
	[dreg:$0x1] =	wrdreg $0xFFFFFFFF  }
0xa7: {  	s28 =	simm.s32 $_size_execute0_lowered;
	s2 =	sadd.s32 s2, s4;
	[dreg:$0x0] =	wrdreg $0x0  }
0xa8: {  	s4 =	sshll.u32 s28, $0x1;
	[dreg:$0x2] =	wrdreg s2  }
0xa9: {  	[dreg:$0x3] =	wrdreg s4  }
0xaa: {  	[dreg:$0x4] =	wrdreg $0xC0  }
0xab: {  	_ =	task [dreg:s6], $0x5FFFF  }
0xac: {  	[dreg:$0x1] =	wrdreg $0xFFFFFFFF  }
0xad: {  	[dreg:$0x0] =	wrdreg $0x60  }
0xae: {  	[dreg:$0x2] =	wrdreg s24  }
0xaf: {  	[dreg:$0x3] =	wrdreg $0x78800  }
0xb0: {  	[dreg:$0x4] =	wrdreg $0x9  }
0xb1: {  	_ =	task.clear_ibuf [dreg:s6], $0x5FFFF;
	_ =	strace $0x9000004C  }
0xb2: {  	s29 =	simm.s32 $0x9;
	_ =	strace $0x8000004E  }
0xb3: {  	_ =	swait.ge [sflag:s29], $0x1  }
0xb4: {  	[sflag:s29] =	ssyncadd.s32 $0xFFFFFFFF  }
0xb5: {  	_ =	strace $0x9000004E  }
0xb6: {  	_ =	sfence  }
0xb7: {  	s30 =	sld [smem:$0x0];
	_ =	sdelay $0x2  }
0xb8: {  	s31 =	sshll.u32 s1, $0xD;
	s1 =	sshrl.u32 s1, $0x2  }
0xb9: {  	s3 =	sand.u32 $0x4000, s31;
	s1 =	sadd.s32 s1, s30  }
0xba: {  	s0 =	sor.u32 s3, s0;
	s1 =	sshll.u32 s1, $0x11  }
0xbb: {  	s0 =	sor.u32 s1, s0  }
0xbc: {  	s0 =	sadd.s32 $0x8F2B, s0  }
0xbd: {  	[sflag:s0] =	ssyncadd.remote.s32 $0x1  }
0xbe: {  	_ =	sfence.sel $0xFFFF  }
0xbf: {  	[dreg:$0x0] =	wrdreg $0xFFFFFFFF;
	(pc) =	sbr.abs _section_cstart, $3  }
0xc0: {  	[dreg:$0x1] =	wrdreg $0xFFFFFFFF  }
0xc1: {  	_ =	task.clear_ibuf [dreg:s6], $0x2FFFF;
	_ =	strace $0x9FFFFFFF  }
0xc2: {  	(tm) =	ssettm $0x7FFFFFFF  }
0xc3: {  	_ =	shalt  }
tec
execute0_lowered:
.L_overlay_start_1:
0x0: {  	(tag) =	ssettag $0x1  }
0x1: {  	s1 =	srdreg.scid;
	s7 =	rddreg [dreg:$0x0]  }
0x2: {  	s0 =	stileid.u32;
	s2 =	rddreg [dreg:$0x1];
	s3 =	simm.s32 $0x0  }
0x3: {  	s18 =	simm.s32 $0x2780;
	s19 =	simm.s32 $0x50;
	s20 =	simm.s32 $0x2880  }
0x4: {  	s21 =	simm.s32 $0x2800;
	s22 =	simm.s32 $0x5080;
	s23 =	simm.s32 $0x1  }
0x5: {  	s8 =	sand.u32 $0x1, s1;
	s24 =	sshll.u32 s0, $0x1;
	s11 =	smul.u32 $0x14000, s0  }
0x6: {  	[smem:$0x7FF] =	sst s3;
	s5 =	sadd.s32 $0xC400, s7;
	s25 =	smul.u32 $0x50000, s0  }
0x7: {  	s6 =	sadd.s32 $0x3D400, s7;
	s14 =	smul.u32 $0x4E20, s0;
	s29 =	sshll.u32 s0, $0x6  }
0x8: {  	s4 =	sor.u32 s8, s24;
	s9 =	smul.u32 $0x140000, s8;
	_ =	strace $0x8000004D  }
0x9: {  	s13 =	ssub.s32 $0x2, s8;
	s8 =	smul.u32 $0x2710, s8;
	s24 =	simm.s32 $0x2  }
0xa: {  	s4 =	smul.u32 $0x2710, s4;
	s26 =	sshrl.u32 s13, $0x1;
	s28 =	sshrl.u32 s25, $0x2  }
0xb: {  	s25 =	simm.s32 $0x26C0;
	s9 =	sadd.s32 s11, s9;
	s13 =	ssub.s32 s13, s26  }
0xc: {  	s16 =	sadd.s32 s28, s2;
	s17 =	sadd.s32 s8, s14;
	s26 =	simm.s32 $0x0  }
0xd: {  	s10 =	sshrl.u32 s4, $0x3;
	s4 =	sadd.s32 $0x16200, s7;
	s9 =	sshrl.u32 s9, $0x3  }
0xe: {  	s30 =	sadd.s32 $0xF0, s17;
	s13 =	smax.u32 s13, $0x1;
	s16 =	sshrl.u32 s16, $0x3  }
0xf: {  	s12 =	sadd.s32 s10, s7;
	s15 =	sadd.s32 s9, s7;
	s7 =	sor.u32 $0x1C03, s29  }
0x10: {  	s9 =	sadd.s32 s5, s10;
	s31 =	sshrl.u32 s30, $0x3;
	s8 =	sadd.s32 $0x2600, s12  }
0x11: {  	s10 =	sadd.s32 $0xA, s9;
	s11 =	sadd.s32 $0x4D8, s9;
	s12 =	sadd.s32 $0x3FC00, s15  }
0x12: {  	s14 =	sadd.s32 s31, s5;
	s15 =	sadd.s32 $0xA0, s17;
	s17 =	simm.s32 $0x3  }
.LBB2_1:
0x13: {  	[spmem:s16], [sflag:s7] =	dma.local [hbm:s6], $0x2800  }
0x14: {  	_ =	swait.ge [sflag:s17], $0x2800  }
0x15: {  	[sflag:s17] =	ssyncset.done $0x0  }
0x16: {  	[sflag:s17] =	ssyncadd.s32 $0xFFFFD800  }
0x17: {  	[tilespmem:s3], [sflag:$0x3] =	stream.linear.gather [hbm4b:s8+s3], $0x2710, $0x38;
	[tilespmem:$0x1B880] =	vst v63  }
0x18: {  	_ =	swait.ge [sflag:s17], $0x2710  }
0x19: {  	[sflag:s17] =	ssyncset.done $0x0  }
0x1a: {  	[sflag:s17] =	ssyncadd.s32 $0xFFFFD8F0  }
0x1b: {  	[bflag:$0x0] =	sbarrier.arrive $0xFFFF  }
0x1c: {  	[tilespmem:s18], [sflag:$0x1] =	stream.linear.gather [hbm4b:s9+s3], $0x50, $0x38;
	[tilespmem:$0x1B880] =	vst v63  }
0x1d: {  	_ = 	snop  }
0x1e: {  	[tilespmem:s20], [sflag:$0x1] =	stream.indirect.gather [hbm4b:s4+s19], $0x80, s3, s19, $0xb8;
	[tilespmem:$0x1B880] =	vst v63  }
0x1f: {  	_ = 	snop  }
0x20: {  	[tilespmem:s21], [sflag:$0x2] =	stream.linear.gather [hbm4b:s10+s3], $0x50, $0x38;
	[tilespmem:$0x1B880] =	vst v63  }
0x21: {  	_ = 	snop  }
0x22: {  	[tilespmem:s22], [sflag:$0x2] =	stream.indirect.gather [hbm4b:s4+s19], $0x80, s19, s19, $0xb8;
	[tilespmem:$0x1B880] =	vst v63  }
0x23: {  	_ =	swait.ge [sflag:s23], $0x50  }
0x24: {  	[sflag:s23] =	ssyncset.done $0x0  }
0x25: {  	[sflag:s23] =	ssyncadd.s32 $0xFFFFFFB0  }
0x26: {  	_ =	swait.ge [sflag:s23], $0x2800  }
0x27: {  	[sflag:s23] =	ssyncset.done $0x0  }
0x28: {  	[sflag:s23] =	ssyncadd.s32 $0xFFFFD800  }
0x29: {  	[spmem:s2] =	stream.indirect.scatter.add.f32 [tilespmem:s20], [sflag:$0x3], $0x80, s18, s19, $0xb8;
	[tilespmem:$0x1B880] =	vst v63  }
0x2a: {  	_ =	swait.ge [sflag:s17], $0x2800  }
0x2b: {  	s28 =	sshrl.u32 s15, $0x3;
	[sflag:s17] =	ssyncset.done $0x0  }
0x2c: {  	s28 =	sadd.s32 s5, s28;
	[sflag:s17] =	ssyncadd.s32 $0xFFFFD800  }
0x2d: {  	[tilespmem:s18], [sflag:$0x1] =	stream.linear.gather [hbm4b:s28+s3], $0x50, $0x38;
	[tilespmem:$0x1B880] =	vst v63  }
0x2e: {  	s28 =	simm.s32 $0xA0  }
0x2f: {  	[tilespmem:s20], [sflag:$0x1] =	stream.indirect.gather [hbm4b:s4+s19], $0x80, s28, s19, $0xb8;
	[tilespmem:$0x1B880] =	vst v63  }
0x30: {  	_ =	swait.ge [sflag:s24], $0x50  }
0x31: {  	[sflag:s24] =	ssyncset.done $0x0  }
0x32: {  	[sflag:s24] =	ssyncadd.s32 $0xFFFFFFB0  }
0x33: {  	_ =	swait.ge [sflag:s24], $0x2800  }
0x34: {  	[sflag:s24] =	ssyncset.done $0x0  }
0x35: {  	[sflag:s24] =	ssyncadd.s32 $0xFFFFD800  }
0x36: {  	[spmem:s2] =	stream.indirect.scatter.add.f32 [tilespmem:s22], [sflag:$0x3], $0x80, s21, s19, $0xb8;
	[tilespmem:$0x1B880] =	vst v63  }
0x37: {  	_ =	swait.ge [sflag:s17], $0x2800  }
0x38: {  	[sflag:s17] =	ssyncset.done $0x0  }
0x39: {  	s29 =	simm.s32 $0x14;
	s28 =	sadd.s32 $0x0, s14;
	[sflag:s17] =	ssyncadd.s32 $0xFFFFD800  }
0x3a: {  	[tilespmem:s21], [sflag:$0x2] =	stream.linear.gather [hbm4b:s28+s3], $0x50, $0x38;
	[tilespmem:$0x1B880] =	vst v63  }
0x3b: {  	s30 =	simm.s32 $0x190;
	s31 =	sadd.s32 $0xA0, s15;
	s28 =	simm.s32 $0xF0  }
.LBB2_2:
0x3c: {  	[tilespmem:s22], [sflag:$0x2] =	stream.indirect.gather [hbm4b:s4+s19], $0x80, s28, s19, $0xb8;
	[tilespmem:$0x1B880] =	vst v63  }
0x3d: {  	s1 =	smov.u32 s29;
	s28 =	smov.u32 s30  }
0x3e: {  	p0 =	sne.s32 s29, $0x4B0;
	s29 =	sadd.s32 $0x14, s29;
	_ =	swait.ge [sflag:s23], $0x50  }
0x3f: {  	[sflag:s23] =	ssyncset.done $0x0  }
0x40: {  	[sflag:s23] =	ssyncadd.s32 $0xFFFFFFB0  }
0x41: {  	_ =	swait.ge [sflag:s23], $0x2800  }
0x42: {  	[sflag:s23] =	ssyncset.done $0x0  }
0x43: {  	[sflag:s23] =	ssyncadd.s32 $0xFFFFD800  }
0x44: {  	[spmem:s2] =	stream.indirect.scatter.add.f32 [tilespmem:s20], [sflag:$0x3], $0x80, s18, s19, $0xb8;
	[tilespmem:$0x1B880] =	vst v63  }
0x45: {  	_ =	swait.ge [sflag:s17], $0x2800  }
0x46: {  	s0 =	sshrl.u32 s31, $0x3;
	[sflag:s17] =	ssyncset.done $0x0  }
0x47: {  	s0 =	sadd.s32 s5, s0;
	[sflag:s17] =	ssyncadd.s32 $0xFFFFD800  }
0x48: {  	[tilespmem:s18], [sflag:$0x1] =	stream.linear.gather [hbm4b:s0+s3], $0x50, $0x38;
	[tilespmem:$0x1B880] =	vst v63  }
0x49: {  	s0 =	sadd.s32 $0xFFFFFFB0, s30  }
0x4a: {  	[tilespmem:s20], [sflag:$0x1] =	stream.indirect.gather [hbm4b:s4+s19], $0x80, s0, s19, $0xb8;
	[tilespmem:$0x1B880] =	vst v63  }
0x4b: {  	_ =	swait.ge [sflag:s24], $0x50  }
0x4c: {  	[sflag:s24] =	ssyncset.done $0x0  }
0x4d: {  	[sflag:s24] =	ssyncadd.s32 $0xFFFFFFB0  }
0x4e: {  	_ =	swait.ge [sflag:s24], $0x2800  }
0x4f: {  	[sflag:s24] =	ssyncset.done $0x0  }
0x50: {  	[sflag:s24] =	ssyncadd.s32 $0xFFFFD800  }
0x51: {  	[spmem:s2] =	stream.indirect.scatter.add.f32 [tilespmem:s22], [sflag:$0x3], $0x80, s21, s19, $0xb8;
	[tilespmem:$0x1B880] =	vst v63  }
.Ltmp0:
0x52: {  	_ =	swait.ge [sflag:s17], $0x2800;
	(pc) =	sbr.rel @p0 .LBB2_2-.Ltmp0, $4  }
0x53: {  	[sflag:s17] =	ssyncset.done $0x0  }
0x54: {  	s0 =	sadd.s32 s1, s14;
	[sflag:s17] =	ssyncadd.s32 $0xFFFFD800  }
0x55: {  	[tilespmem:s21], [sflag:$0x2] =	stream.linear.gather [hbm4b:s0+s3], $0x50, $0x38;
	[tilespmem:$0x1B880] =	vst v63  }
0x56: {  	s31 =	sadd.s32 $0xA0, s31;
	s30 =	sadd.s32 $0xA0, s30  }
0x57: {  	[tilespmem:s22], [sflag:$0x2] =	stream.indirect.gather [hbm4b:s4+s19], $0x80, s28, s19, $0xb8;
	[tilespmem:$0x1B880] =	vst v63  }
0x58: {  	_ =	swait.ge [sflag:s23], $0x50  }
0x59: {  	[sflag:s23] =	ssyncset.done $0x0  }
0x5a: {  	[sflag:s23] =	ssyncadd.s32 $0xFFFFFFB0  }
0x5b: {  	_ =	swait.ge [sflag:s23], $0x2800  }
0x5c: {  	[sflag:s23] =	ssyncset.done $0x0  }
0x5d: {  	[sflag:s23] =	ssyncadd.s32 $0xFFFFD800  }
0x5e: {  	[spmem:s2] =	stream.indirect.scatter.add.f32 [tilespmem:s20], [sflag:$0x3], $0x80, s18, s19, $0xb8;
	[tilespmem:$0x1B880] =	vst v63  }
0x5f: {  	_ =	swait.ge [sflag:s17], $0x2800  }
0x60: {  	[sflag:s17] =	ssyncset.done $0x0  }
0x61: {  	[sflag:s17] =	ssyncadd.s32 $0xFFFFD800  }
0x62: {  	[tilespmem:s18], [sflag:$0x1] =	stream.linear.gather [hbm4b:s11+s3], $0x50, $0x38;
	[tilespmem:$0x1B880] =	vst v63  }
0x63: {  	_ = 	snop  }
0x64: {  	[tilespmem:s20], [sflag:$0x1] =	stream.indirect.gather [hbm4b:s4+s19], $0x80, s25, s19, $0xb8;
	[tilespmem:$0x1B880] =	vst v63  }
0x65: {  	_ =	swait.ge [sflag:s24], $0x50  }
0x66: {  	[sflag:s24] =	ssyncset.done $0x0  }
0x67: {  	[sflag:s24] =	ssyncadd.s32 $0xFFFFFFB0  }
0x68: {  	_ =	swait.ge [sflag:s24], $0x2800  }
0x69: {  	[sflag:s24] =	ssyncset.done $0x0  }
0x6a: {  	[sflag:s24] =	ssyncadd.s32 $0xFFFFD800  }
0x6b: {  	[spmem:s2] =	stream.indirect.scatter.add.f32 [tilespmem:s22], [sflag:$0x3], $0x80, s21, s19, $0xb8;
	[tilespmem:$0x1B880] =	vst v63  }
0x6c: {  	_ =	swait.ge [sflag:s17], $0x2800  }
0x6d: {  	[sflag:s17] =	ssyncset.done $0x0  }
0x6e: {  	[sflag:s17] =	ssyncadd.s32 $0xFFFFD800  }
0x6f: {  	_ =	swait.ge [sflag:s23], $0x50  }
0x70: {  	[sflag:s23] =	ssyncset.done $0x0  }
0x71: {  	[sflag:s23] =	ssyncadd.s32 $0xFFFFFFB0  }
0x72: {  	_ =	swait.ge [sflag:s23], $0x2800  }
0x73: {  	[sflag:s23] =	ssyncset.done $0x0  }
0x74: {  	[sflag:s23] =	ssyncadd.s32 $0xFFFFD800  }
0x75: {  	[spmem:s2] =	stream.indirect.scatter.add.f32 [tilespmem:s20], [sflag:$0x3], $0x80, s18, s19, $0xb8;
	[tilespmem:$0x1B880] =	vst v63  }
0x76: {  	_ =	swait.ge [sflag:s17], $0x2800  }
0x77: {  	s26 =	sadd.s32 $0x1, s26;
	[sflag:s17] =	ssyncset.done $0x0  }
0x78: {  	p0 =	sne.s32 s26, s13;
	[sflag:s17] =	ssyncadd.s32 $0xFFFFD800  }
.Ltmp1:
0x79: {  	[bflag:$0x0] =	sbarrier.arrive $0xFFFF;
	(pc) =	sbr.rel @p0 .LBB2_1-.Ltmp1, $4  }
0x7a: {  	[hbm:s12], [sflag:s7] =	dma.local [spmem:s16], $0x2800  }
0x7b: {  	_ =	swait.ge [sflag:s17], $0x2800  }
0x7c: {  	[sflag:s17] =	ssyncset.done $0x0  }
0x7d: {  	[sflag:s17] =	ssyncadd.s32 $0xFFFFD800  }
0x7e: {  	_ =	sfence.sel $0x180000  }
0x7f: {  	[bflag:$0x0] =	sbarrier.arrive $0xFFFF  }
0x80: {  	_ =	strace $0x9000004D  }
0x81: {  	s0 =	stileid.u32;
	[bflag:$0x2] =	sbarrier.arrive $0xFFFF  }
0x82: {  	p0 =	sne.s32 s0, $0x0;
	s0 =	rddreg [dreg:$0x2]  }
0x83: {  	s0 =	sadd.s32 @!p0 $0x100000, s0  }
0x84: {  	[sflag:s0] =	ssyncadd.tile.s32 @!p0 $0x1;
	_ =	shalt  }
.Lfunc_end2:
_tile_overlayer_lowered:
.L_overlay_start_2:
0x85: {  	(tag) =	ssettag $0x2  }
0x86: {  	s0 =	rddreg [dreg:$0x0];
	s2 =	stileid.u32  }
0x87: {  	s1 =	rddreg [dreg:$0x1];
	p0 =	sne.s32 s2, $0x0  }
0x88: {  	s3 =	rddreg [dreg:$0x2];
	[bflag:$0x3] =	sbarrier.arrive $0xFFFF;
	s2 =	simm.s32 @!p0 $0x1C03  }
0x89: {  	[timem:s3], [sflag:s2] =	dma.local @!p0 [hbm:s0], s1  }
0x8a: {  	s0 =	simm.s32 @!p0 $0x3  }
0x8b: {  	_ =	swait.ge @!p0 [sflag:s0], s1  }
0x8c: {  	s1 =	ssub.s32 @!p0 $0x0, s1;
	[sflag:s0] =	ssyncset.done @!p0 $0x0  }
0x8d: {  	[sflag:s0] =	ssyncadd.s32 @!p0 s1  }
0x8e: {  	[bflag:$0x3] =	sbarrier.arrive $0xFFFF  }
0x8f: {  	_ =	shalt  }

// kernel: kernel.9.cloned.1.call-start
scs
__scs_entry_jumppad:
0x0: {  	(pc) =	sbr.rel $0x88, $3  }
0x1: {  	(tag) =	ssettag $0x0;
	lr =	simm.s32 $0x1  }
0x2: {  	[smem:$0x3F98] =	sst lr;
	_ =	strace $0xD0000000  }
0x3: {  	_ = 	snop  }
0x4: {  	_ = 	snop  }
0x5: {  	_ = 	snop  }
0x6: {  	_ = 	snop  }
0x7: {  	_ = 	snop  }
__scs_overlays_trampoline_lowered:
0x8: {  	[smem:$0x3FA7] =	sst s0  }
0x9: {  	[smem:$0x3FA8] =	sst s1  }
0xa: {  	[smem:$0x3FA9] =	sst s2  }
0xb: {  	[smem:$0x3FAA] =	sst s3  }
0xc: {  	[smem:$0x3FAB] =	sst s4  }
0xd: {  	[smem:$0x3FAC] =	sst s5  }
0xe: {  	[smem:$0x3FAD] =	sst s6  }
0xf: {  	[smem:$0x3FAE] =	sst s7  }
0x10: {  	[smem:$0x3FAF] =	sst s8  }
0x11: {  	[smem:$0x3FB0] =	sst s9;
	s0 =	simm.s32 @!p0 $0x0  }
0x12: {  	s1 =	sld [smem:$0x3F96];
	s0 =	simm.s32 @p0 $0x1  }
0x13: {  	[smem:$0x3FB1] =	sst s0;
	s0 =	simm.s32 @!p1 $0x0  }
0x14: {  	s2 =	sld [smem:$0x3F95];
	s0 =	simm.s32 @p1 $0x1  }
0x15: {  	[smem:$0x3FB2] =	sst s0;
	s0 =	simm.s32 @!p2 $0x0  }
0x16: {  	s3 =	sld [smem:$0x3FDB];
	s0 =	simm.s32 @p2 $0x1  }
0x17: {  	s4 =	simm.s32 $0x1BF5;
	[smem:$0x3FB4] =	sst s0  }
0x18: {  	s0 =	sld [smem:$0x3F97];
	_ =	swait.ge [sflag:s4], $0x0  }
0x19: {  	s7 =	sld [smem:$0x3F98]  }
0x1a: {  	s8 =	sadd.s32 $0xFFFFE003, lr  }
0x1b: {  	s9 =	sadd.s32 $0xFFFFFEF7, lr;
	s5 =	simm.s32 $0xFFFFFFFF;
	p2 =	slt.u32 s8, $0xFFFFF086  }
0x1c: {  	p1 =	slt.u32 s9, $0xF7A;
	s5 =	simm.s32 @!p2 $0x0  }
0x1d: {  	s5 =	simm.s32 @p1 $0x1;
	p0 =	seq.s32 s7, s2  }
0x1e: {  	s7 =	smul.u32 @!p0 $0xF7A, s2;
	p2 =	seq.s32 @!p0 s5, $0x0  }
0x1f: {  	s9 =	smul.u32 $0xF7A, s1;
	s8 =	simm.s32 @!p0 $0x1BF5;
	p2 =	por !p2, p0  }
0x20: {  	[sflag:s8] =	ssyncset.s32 @!p0 $0xFFFFF086;
	s6 =	sadd.s32 @!p0 s3, s7;
	s7 =	simm.s32 @!p0 $0x108  }
0x21: {  	s3 =	sadd.s32 s3, s9;
	s6 =	sadd.s32 @!p0 $0x88, s6;
	s7 =	simm.s32 @p2 $0x1082  }
0x22: {  	[simem:s7], [sflag:s8] =	dma.local @!p0 [hbm:s6], $0xF7A  }
0x23: {  	s9 =	sor.u32 $0xD0000000, s2;
	s6 =	simm.s32 $0x108;
	_ =	swait.ge @!p0 [sflag:s8], $0x0  }
0x24: {  	s3 =	sadd.s32 $0x88, s3;
	s6 =	simm.s32 @!p1 $0x1082;
	[sflag:s4] =	ssyncset.s32 $0xFFFFF086  }
0x25: {  	[simem:s6], [sflag:s4] =	dma.local [hbm:s3], $0xF7A  }
0x26: {  	[smem:$0x3F98] =	sst s1;
	(tag) =	ssettag s2;
	_ =	strace s9  }
0x27: {  	s1 =	sld [smem:$0x3FA8]  }
0x28: {  	s2 =	sld [smem:$0x3FA9]  }
0x29: {  	s4 =	sld [smem:$0x3FAB]  }
0x2a: {  	p0 =	seq.s32 s5, $0x0;
	s5 =	sld [smem:$0x3FAC]  }
0x2b: {  	s6 =	sld [smem:$0x3FAD]  }
0x2c: {  	s7 =	sld [smem:$0x3FAE]  }
0x2d: {  	s3 =	simm.s32 $0x108;
	s8 =	sld [smem:$0x3FAF]  }
0x2e: {  	s3 =	simm.s32 @!p0 $0x1082;
	s9 =	sld [smem:$0x3FB0]  }
0x2f: {  	lr =	sadd.s32 s0, s3;
	s0 =	sld [smem:$0x3FA7]  }
0x30: {  	s3 =	sld [smem:$0x3FAA]  }
0x31: {  	[smem:$0x3FB3] =	sst s10  }
0x32: {  	s10 =	sld [smem:$0x3FB1];
	_ =	sdelay $0x3  }
0x33: {  	p0 =	seq.s32 s10, $0x1;
	s10 =	sld [smem:$0x3FB3];
	_ =	sdelay $0x3  }
0x34: {  	[smem:$0x3FB3] =	sst s10  }
0x35: {  	s10 =	sld [smem:$0x3FB2];
	_ =	sdelay $0x3  }
0x36: {  	p1 =	seq.s32 s10, $0x1;
	s10 =	sld [smem:$0x3FB3];
	_ =	sdelay $0x3  }
0x37: {  	[smem:$0x3FB3] =	sst s10  }
0x38: {  	s10 =	sld [smem:$0x3FB4]  }
0x39: {  	_ = 	snop;
	(pc) =	sbr.ind lr, $3  }
0x3a: {  	_ = 	snop  }
0x3b: {  	_ = 	snop  }
0x3c: {  	p2 =	seq.s32 s10, $0x1;
	s10 =	sld [smem:$0x3FB3]  }
0x3d: {  	_ =	shalt  }
0x3e: {  	_ =	shalt  }
0x3f: {  	_ =	shalt  }
0x40: {  	_ =	shalt  }
0x41: {  	_ =	shalt  }
0x42: {  	_ =	shalt  }
0x43: {  	_ =	shalt  }
0x44: {  	_ =	shalt  }
0x45: {  	_ =	shalt  }
0x46: {  	_ =	shalt  }
0x47: {  	_ =	shalt  }
0x48: {  	_ =	shalt  }
0x49: {  	_ =	shalt  }
0x4a: {  	_ =	shalt  }
0x4b: {  	_ =	shalt  }
0x4c: {  	_ =	shalt  }
0x4d: {  	_ =	shalt  }
0x4e: {  	_ =	shalt  }
0x4f: {  	_ =	shalt  }
0x50: {  	_ =	shalt  }
0x51: {  	_ =	shalt  }
0x52: {  	_ =	shalt  }
0x53: {  	_ =	shalt  }
0x54: {  	_ =	shalt  }
0x55: {  	_ =	shalt  }
0x56: {  	_ =	shalt  }
0x57: {  	_ =	shalt  }
0x58: {  	_ =	shalt  }
0x59: {  	_ =	shalt  }
0x5a: {  	_ =	shalt  }
0x5b: {  	_ =	shalt  }
0x5c: {  	_ =	shalt  }
0x5d: {  	_ =	shalt  }
0x5e: {  	_ =	shalt  }
0x5f: {  	_ =	shalt  }
0x60: {  	_ =	shalt  }
0x61: {  	_ =	shalt  }
0x62: {  	_ =	shalt  }
0x63: {  	_ =	shalt  }
0x64: {  	_ =	shalt  }
0x65: {  	_ =	shalt  }
0x66: {  	_ =	shalt  }
0x67: {  	_ =	shalt  }
0x68: {  	_ =	shalt  }
0x69: {  	_ =	shalt  }
0x6a: {  	_ =	shalt  }
0x6b: {  	_ =	shalt  }
0x6c: {  	_ =	shalt  }
0x6d: {  	_ =	shalt  }
0x6e: {  	_ =	shalt  }
0x6f: {  	_ =	shalt  }
0x70: {  	_ =	shalt  }
0x71: {  	_ =	shalt  }
0x72: {  	_ =	shalt  }
0x73: {  	_ =	shalt  }
0x74: {  	_ =	shalt  }
0x75: {  	_ =	shalt  }
0x76: {  	_ =	shalt  }
0x77: {  	_ =	shalt  }
0x78: {  	_ =	shalt  }
0x79: {  	_ =	shalt  }
0x7a: {  	_ =	shalt  }
0x7b: {  	_ =	shalt  }
0x7c: {  	_ =	shalt  }
0x7d: {  	_ =	shalt  }
0x7e: {  	_ =	shalt  }
0x7f: {  	_ =	shalt  }
0x80: {  	_ =	shalt  }
0x81: {  	_ =	shalt  }
0x82: {  	_ =	shalt  }
0x83: {  	_ =	shalt  }
0x84: {  	_ =	shalt  }
0x85: {  	_ =	shalt  }
0x86: {  	_ =	shalt  }
0x87: {  	_ =	shalt  }
.Lfunc_end0:
.L_simem_size_0:
called_computation_lowered:
.L_overlay_start_0:
0x88: {  	s2 =	sld [smem:$0x3FD9]  }
0x89: {  	s3 =	sld [smem:$0x3FFE];
	_ =	sdelay $0x1  }
0x8a: {  	s1 =	srdreg.scid  }
0x8b: {  	s0 =	sand.u32 $0x1, s1  }
0x8c: {  	s17 =	sshll.u32 s0, $0xA;
	s2 =	sadd.s32 s3, s2  }
0x8d: {  	s2 =	sadd.s32 s2, s17  }
0x8e: {  	[smem:$0x3FBF] =	sst s2  }
0x8f: {  	_ = 	snop  }
0x90: {  	s2 =	sld [smem:$0x3FD0];
	(tm) =	ssettm $0x1  }
0x91: {  	s18 =	sld [smem:$0x3FFB];
	_ =	sdelay $0x3  }
0x92: {  	_ =	strace s18  }
0x93: {  	s3 =	sld [smem:$0x3FFC];
	_ =	sdelay $0x3  }
0x94: {  	_ =	strace s3  }
0x95: {  	s3 =	sld [smem:$0x3FFD];
	_ =	sdelay $0x3  }
0x96: {  	_ =	strace s3  }
0x97: {  	_ =	strace $0x8FFFFFFF  }
0x98: {  	s19 =	sld [smem:$0x3FDB];
	_ =	sdelay $0x1  }
0x99: {  	s4 =	simm.s32 $_scs_section_size  }
0x9a: {  	s5 =	simm.s32 $_size__tile_overlayer_lowered;
	s6 =	simm.s32 $_tile_overlayer_lowered  }
0x9b: {  	s22 =	simm.s32 $0x1BFF;
	s21 =	sshll.u32 s6, $0x1;
	s3 =	sadd.s32 s4, s19  }
0x9c: {  	s7 =	simm.s32 $0x0;
	s20 =	sshll.u32 s5, $0x1;
	s5 =	sadd.s32 s21, s3  }
0x9d: {  	[timem:s7], [sflag:s22] =	dma.local [hbm:s5], s20  }
0x9e: {  	_ =	swait.ge [sflag:s22], s20  }
0x9f: {  	s4 =	ssub.s32 $0x0, s20;
	[sflag:s22] =	ssyncset.done $0x0  }
0xa0: {  	[sflag:s22] =	ssyncadd.s32 s4;
	_ =	sdelay $0x1  }
0xa1: {  	s23 =	simm.s32 $0x1B8B  }
0xa2: {  	_ =	swait.ge [sflag:s23], $0x1  }
0xa3: {  	[sflag:s23] =	ssyncset.done $0x0  }
0xa4: {  	s25 =	simm.s32 $0x1B8E;
	s24 =	sld [smem:$0x3FFE];
	[sflag:s23] =	ssyncadd.s32 $0xFFFFFFFF  }
0xa5: {  	s26 =	simm.s32 $execute0_lowered;
	[smem:$0x3FD2] =	sst s25  }
0xa6: {  	s5 =	sshll.u32 s26, $0x1;
	_ =	strace $0x80000046;
	[dreg:$0x1] =	wrdreg $0xFFFFFFFF  }
0xa7: {  	s28 =	simm.s32 $_size_execute0_lowered;
	s3 =	sadd.s32 s3, s5;
	[dreg:$0x0] =	wrdreg $0x0  }
0xa8: {  	s5 =	sshll.u32 s28, $0x1;
	[dreg:$0x2] =	wrdreg s3  }
0xa9: {  	[dreg:$0x3] =	wrdreg s5  }
0xaa: {  	[dreg:$0x4] =	wrdreg $0xC0  }
0xab: {  	_ =	task [dreg:s7], $0x5FFFF  }
0xac: {  	[dreg:$0x1] =	wrdreg $0xFFFFFFFF  }
0xad: {  	[dreg:$0x0] =	wrdreg $0x60  }
0xae: {  	[dreg:$0x2] =	wrdreg s24  }
0xaf: {  	[dreg:$0x3] =	wrdreg s2  }
0xb0: {  	[dreg:$0x4] =	wrdreg $0x40800  }
0xb1: {  	[dreg:$0x5] =	wrdreg $0x9  }
0xb2: {  	_ =	task.clear_ibuf [dreg:s7], $0x6FFFF;
	_ =	strace $0x90000046  }
0xb3: {  	s29 =	simm.s32 $0x9;
	_ =	strace $0x80000048  }
0xb4: {  	_ =	swait.ge [sflag:s29], $0x1  }
0xb5: {  	[sflag:s29] =	ssyncadd.s32 $0xFFFFFFFF  }
0xb6: {  	_ =	strace $0x90000048  }
0xb7: {  	_ =	sfence  }
0xb8: {  	s30 =	sld [smem:$0x0];
	_ =	sdelay $0x2  }
0xb9: {  	s31 =	sshll.u32 s1, $0xD;
	s1 =	sshrl.u32 s1, $0x2  }
0xba: {  	s3 =	sand.u32 $0x4000, s31;
	s1 =	sadd.s32 s1, s30  }
0xbb: {  	s0 =	sor.u32 s3, s0;
	s1 =	sshll.u32 s1, $0x11  }
0xbc: {  	s0 =	sor.u32 s1, s0  }
0xbd: {  	s0 =	sadd.s32 $0x8F2B, s0  }
0xbe: {  	[sflag:s0] =	ssyncadd.remote.s32 $0x1  }
0xbf: {  	_ =	sfence.sel $0xFFFF  }
0xc0: {  	[dreg:$0x0] =	wrdreg $0xFFFFFFFF;
	(pc) =	sbr.abs _section_cstart, $3  }
0xc1: {  	[dreg:$0x1] =	wrdreg $0xFFFFFFFF  }
0xc2: {  	_ =	task.clear_ibuf [dreg:s7], $0x2FFFF;
	_ =	strace $0x9FFFFFFF  }
0xc3: {  	(tm) =	ssettm $0x7FFFFFFF  }
tec
execute0_lowered:
.L_overlay_start_1:
0x0: {  	(tag) =	ssettag $0x1  }
0x1: {  	s6 =	rddreg [dreg:$0x0]  }
0x2: {  	s1 =	rddreg [dreg:$0x1]  }
0x3: {  	s2 =	rddreg [dreg:$0x2]  }
0x4: {  	s0 =	rddreg [dreg:$0x3];
	s3 =	srdreg.scid  }
0x5: {  	s4 =	simm.s32 $0x0;
	s13 =	simm.s32 $0x50;
	s14 =	simm.s32 $0x20  }
0x6: {  	s15 =	simm.s32 $0x10;
	s16 =	simm.s32 $0x0;
	s7 =	sand.u32 $0x1, s3  }
0x7: {  	s3 =	stileid.u32;
	[smem:$0x7FF] =	sst s4;
	s5 =	sshll.u32 s7, $0xB  }
0x8: {  	s8 =	smul.u32 $0x500, s3;
	_ =	strace $0x80000047;
	s10 =	sshll.u32 s7, $0x7  }
0x9: {  	s7 =	ssub.s32 $0x2, s7;
	s11 =	smul.u32 $0xA00, s3;
	s29 =	sshll.u32 s3, $0xC  }
0xa: {  	s31 =	sshll.u32 s3, $0x6;
	s9 =	sadd.s32 s5, s6;
	s28 =	sshrl.u32 s7, $0x1  }
0xb: {  	s5 =	sadd.s32 $0x26200, s6;
	s8 =	sor.u32 s10, s8;
	s10 =	ssub.s32 s7, s28  }
0xc: {  	s30 =	sshrl.u32 s11, $0x2;
	s9 =	sadd.s32 s29, s9;
	s11 =	simm.s32 $0x1  }
0xd: {  	s8 =	sshrl.u32 s8, $0x3;
	s12 =	sadd.s32 s30, s2;
	s7 =	sadd.s32 $0x16200, s9  }
0xe: {  	s9 =	smax.u32 s10, $0x1;
	s8 =	sadd.s32 s8, s6;
	s6 =	sor.u32 $0x1C01, s31  }
0xf: {  	s10 =	sshrl.u32 s12, $0x3;
	s12 =	simm.s32 $0x4000;
	s8 =	sadd.s32 $0x26400, s8  }
.LBB2_1:
0x10: {  	[spmem:s10], [sflag:s6] =	dma.local [hbm:s1], $0x50  }
0x11: {  	_ =	swait.ge [sflag:s11], $0x50  }
0x12: {  	[sflag:s11] =	ssyncset.done $0x0  }
0x13: {  	[sflag:s11] =	ssyncadd.s32 $0xFFFFFFB0  }
0x14: {  	[tilespmem:s4], [sflag:$0x1] =	stream.linear.gather [hbm4b:s7+s4], $0x3E80, $0x38;
	[tilespmem:$0x4300] =	vst v63  }
0x15: {  	_ =	swait.ge [sflag:s11], $0x3E80  }
0x16: {  	[sflag:s11] =	ssyncset.done $0x0  }
0x17: {  	[sflag:s11] =	ssyncadd.s32 $0xFFFFC180  }
0x18: {  	[tilespmem:s12], [sflag:$0x1] =	stream.linear.gather [hbm4b:s5+s4], $0x80, $0x38;
	[tilespmem:$0x4300] =	vst v63  }
0x19: {  	_ =	swait.ge [sflag:s11], $0x80  }
0x1a: {  	[sflag:s11] =	ssyncset.done $0x0  }
0x1b: {  	[sflag:s11] =	ssyncadd.s32 $0xFFFFFF80  }
0x1c: {  	s17 =	simm.s32 $0x0;
	[bflag:$0x0] =	sbarrier.arrive $0xFFFF  }
0x1d: {  	[spmem:s2] =	stream.indirect.scatter.add.f32 [tilespmem:s12], [sflag:$0x1], $0x1, s17, s13, $0xb8;
	[tilespmem:$0x4300] =	vst v63  }
0x1e: {  	_ =	swait.ge [sflag:s11], $0x50  }
0x1f: {  	s17 =	simm.s32 $0x200;
	[sflag:s11] =	ssyncset.done $0x0  }
.LBB2_2:
0x20: {  	s18 =	sshra.s32 s17, $0x2;
	[sflag:s11] =	ssyncadd.s32 $0xFFFFFFB0;
	p0 =	sne.s32 s17, $0xF800  }
0x21: {  	[spmem:s2] =	stream.indirect.scatter.add.f32 [tilespmem:s12], [sflag:$0x1], $0x1, s18, s13, $0xb8;
	[tilespmem:$0x4300] =	vst v63  }
.Ltmp0:
0x22: {  	_ = 	snop;
	(pc) =	sbr.rel @p0 .LBB2_2-.Ltmp0, $4  }
0x23: {  	_ = 	snop  }
0x24: {  	s17 =	sadd.s32 $0x200, s17  }
0x25: {  	_ =	swait.ge [sflag:s11], $0x50  }
0x26: {  	[sflag:s11] =	ssyncset.done $0x0  }
0x27: {  	s16 =	sadd.s32 $0x1, s16  }
0x28: {  	[sflag:s11] =	ssyncadd.s32 $0xFFFFFFB0;
	p0 =	sne.s32 s16, s9  }
.Ltmp1:
0x29: {  	[bflag:$0x0] =	sbarrier.arrive $0xFFFF;
	(pc) =	sbr.rel @p0 .LBB2_1-.Ltmp1, $4  }
0x2a: {  	[hbm:s8@s14], [sflag:s6] =	dma.strided [spmem:s10@s15], $0x50, s11, $0x10   }
0x2b: {  	_ =	swait.ge [sflag:s11], $0x50  }
0x2c: {  	[sflag:s11] =	ssyncset.done $0x0  }
0x2d: {  	[sflag:s11] =	ssyncadd.s32 $0xFFFFFFB0  }
0x2e: {  	_ =	sfence.sel $0x180000  }
0x2f: {  	[bflag:$0x0] =	sbarrier.arrive $0xFFFF  }
0x30: {  	p0 =	sne.s32 s3, $0x0;
	_ =	strace $0x90000047  }
0x31: {  	s0 =	sadd.s32 @!p0 $0x100000, s0;
	[bflag:$0x2] =	sbarrier.arrive $0xFFFF  }
0x32: {  	[sflag:s0] =	ssyncadd.tile.s32 @!p0 $0x1;
	_ =	shalt  }
.Lfunc_end2:
_tile_overlayer_lowered:
.L_overlay_start_2:
0x33: {  	(tag) =	ssettag $0x2  }
0x34: {  	s0 =	rddreg [dreg:$0x0];
	s2 =	stileid.u32  }
0x35: {  	s1 =	rddreg [dreg:$0x1];
	p0 =	sne.s32 s2, $0x0  }
0x36: {  	s3 =	rddreg [dreg:$0x2];
	[bflag:$0x3] =	sbarrier.arrive $0xFFFF;
	s2 =	simm.s32 @!p0 $0x1C01  }
0x37: {  	[timem:s3], [sflag:s2] =	dma.local @!p0 [hbm:s0], s1  }
0x38: {  	s0 =	simm.s32 @!p0 $0x1  }
0x39: {  	_ =	swait.ge @!p0 [sflag:s0], s1  }
0x3a: {  	s1 =	ssub.s32 @!p0 $0x0, s1;
	[sflag:s0] =	ssyncset.done @!p0 $0x0  }
0x3b: {  	[sflag:s0] =	ssyncadd.s32 @!p0 s1  }
0x3c: {  	[bflag:$0x3] =	sbarrier.arrive $0xFFFF  }
0x3d: {  	_ =	shalt  }

</sc_bundles>
